<compile_context>
chip_gen: v7x
topology: tpu7x:2x2x1
jax: 0.10.2.dev20260603
libtpu: 0.0.44.dev20260713+nightly
codegen_flags: <defaults>
</compile_context>

<pallas_src>
import functools

import jax
import jax.numpy as jnp
from jax import lax
from jax.experimental import pallas as pl
from jax.experimental.pallas import tpu as pltpu
from jax.experimental.pallas import tpu_sc as plsc

VOCAB = 1000
BATCH = 4096
SEQ = 20

_INFO = plsc.get_sparse_core_info()
_NC = _INFO.num_cores
_NS = _INFO.num_subcores
_NW = _NC * _NS

_D = VOCAB
_DP = 1024
_SP = 24
_BPW = BATCH // _NW
_DEPTH = 2
_MB = 2
_C = _SP * _MB
_G = _BPW // _MB
_NGROUP = _G // _DEPTH


def _make_kernel():
    mesh = plsc.VectorSubcoreMesh(core_axis_name="c", subcore_axis_name="s")

    @functools.partial(
        pl.kernel,
        mesh=mesh,
        out_type=jax.ShapeDtypeStruct((BATCH // _MB, _C, _DP), jnp.float32),
        scratch_types=(
            [pltpu.VMEM((_G, _C), jnp.int32)]
            + [pltpu.VMEM((1, _C, _DP), jnp.float32)
               for _ in range(_DEPTH)]
            + [pltpu.SemaphoreType.DMA for _ in range(2 * _DEPTH)]
        ),
    )
    def body(x_hbm, table_hbm, out_hbm, idx_v, *rest):
        bufs = rest[:_DEPTH]
        gsems = rest[_DEPTH:2 * _DEPTH]
        ssems = rest[2 * _DEPTH:]
        wid = lax.axis_index("s") * _NC + lax.axis_index("c")
        base = wid * _G
        pltpu.sync_copy(x_hbm.at[wid], idx_v)

        def fire_gather(g, j):
            pltpu.async_copy(table_hbm.at[idx_v.at[g]], bufs[j].at[0],
                             gsems[j])

        def wait_gather(g, j):
            pltpu.make_async_copy(
                table_hbm.at[idx_v.at[g]], bufs[j].at[0], gsems[j]).wait()

        def _scatter_args(g, j):
            src = bufs[j]
            dst = out_hbm.at[pl.ds(base + g, 1)]
            return src, dst

        def fire_scatter(g, j):
            src, dst = _scatter_args(g, j)
            pltpu.async_copy(src, dst, ssems[j])

        def wait_scatter(g, j):
            src, dst = _scatter_args(g, j)
            pltpu.make_async_copy(src, dst, ssems[j]).wait()

        for j in range(_DEPTH):
            fire_gather(j, j)

        def group(gg, carry):
            for j in range(_DEPTH):
                g = gg * _DEPTH + j
                wait_gather(g, j)
                fire_scatter(g, j)
            for j in range(_DEPTH):
                g = gg * _DEPTH + j
                wait_scatter(g, j)
                fire_gather(g + _DEPTH, j)
            return carry

        lax.fori_loop(0, _NGROUP - 1, group, 0)

        for j in range(_DEPTH):
            g = (_NGROUP - 1) * _DEPTH + j
            wait_gather(g, j)
            fire_scatter(g, j)
        for j in range(_DEPTH):
            g = (_NGROUP - 1) * _DEPTH + j
            wait_scatter(g, j)

    return body


_kernel_call = _make_kernel()


def kernel(x, embedding):
    xr = x.astype(jnp.int32).reshape(_NW, _BPW, SEQ)
    idx = jnp.concatenate([xr, xr[:, :, : _SP - SEQ]], axis=-1)
    idx = idx.reshape(_NW, _G, _C)
    table = jnp.pad(embedding, ((0, 0), (0, _DP - _D)))
    out = _kernel_call(idx, table)
    out = out.reshape(BATCH, _SP, _DP)
    return out[:, :SEQ, :_D]

# --- scband reference (transcript-rebuilt; emitter-appended) ---
"""Pipeline reference for scband-neural-bigram-49134425866560 (READ-ONLY COPY).

The authoritative reference and input builder live on the scoring server;
editing this copy changes nothing except your own understanding.
"""

import jax, jax.numpy as jnp
import numpy as np

VOCAB = 1000
BATCH = 4096
SEQ = 20

def setup_inputs(seed: int = 0) -> dict:
    key = jax.random.key(seed)
    k1, k2 = jax.random.split(key)
    x = jax.random.randint(k1, (BATCH, SEQ), 0, VOCAB, dtype=jnp.int64)
    # nn.Embedding default init: N(0, 1)
    embedding = jax.random.normal(k2, (VOCAB, VOCAB), dtype=jnp.float32)
    return {"x": x, "embedding": embedding}

def reference(x, embedding):
    # forward: embedding lookup, then dropout(p=0.0) which is identity
    out = jnp.take(embedding, x, axis=0)  # [B, T, vocab]
    return out

if __name__ == "__main__":
    import jax
    _d = setup_inputs()
    print(jax.jit(kernel)(*tuple(_d.values())))

</pallas_src>

<mosaic_0001>
#map = affine_map<(d0, d1) -> (0, 0, 0)>
#map1 = affine_map<(d0, d1) -> (0, 0)>
module attributes {stable_mosaic.version = 14 : i64} {
  func.func @body(%arg0: i32, %arg1: i32, %arg2: memref<32x64x48xi32, #tpu.memory_space<hbm>>, %arg3: memref<1000x1024xf32, #tpu.memory_space<hbm>>, %arg4: memref<2048x48x1024xf32, #tpu.memory_space<hbm>>, %arg5: memref<64x48xi32, #tpu.memory_space<vmem>>, %arg6: memref<1x48x1024xf32, #tpu.memory_space<vmem>>, %arg7: memref<1x48x1024xf32, #tpu.memory_space<vmem>>, %arg8: memref<!tpu.dma_semaphore, #tpu.memory_space<semaphore_mem>>, %arg9: memref<!tpu.dma_semaphore, #tpu.memory_space<semaphore_mem>>, %arg10: memref<!tpu.dma_semaphore, #tpu.memory_space<semaphore_mem>>, %arg11: memref<!tpu.dma_semaphore, #tpu.memory_space<semaphore_mem>>) attributes {dimension_semantics = [#tpu.dimension_semantics<core_parallel>, #tpu.dimension_semantics<subcore_parallel>], iteration_bounds = array<i64: 2, 16>, scalar_prefetch = 0 : i64, scratch_operands = 7 : i64, tpu.core_type = #tpu.core_type<sc_vector_subcore>, window_params = [{transform_indices = #map}, {transform_indices = #map1}, {transform_indices = #map}]} {
    %mul3A = arith.constant 2 : i32
    %mul3A_0 = arith.muli %arg1, %mul3A : i32
    %add3A = arith.addi %mul3A_0, %arg0 : i32
    %mul3A_1 = arith.constant 64 : i32
    %mul3A_2 = arith.muli %add3A, %mul3A_1 : i32
    "tpu.region"() ({
      %run_scoped3A = tpu.sem_alloc : memref<!tpu.dma_semaphore, #tpu.memory_space<semaphore_mem>>
      %dma_start3A_86 = arith.constant 0 : i32
      %dma_start3A_87 = arith.constant 0 : i32
      %dma_start3A_88 = tpu.memref_slice %arg2[%add3A, %dma_start3A_86, %dma_start3A_87] : memref<32x64x48xi32, #tpu.memory_space<hbm>> -> memref<1x64x48xi32, #tpu.memory_space<hbm>>
      %dma_start3A_89 = tpu.memref_squeeze %dma_start3A_88 : memref<1x64x48xi32, #tpu.memory_space<hbm>> -> memref<64x48xi32, #tpu.memory_space<hbm>>
      %dma_start3A_90 = arith.constant 0 : i32
      %dma_start3A_91 = arith.constant 0 : i32
      %dma_start3A_92 = tpu.memref_slice %arg2[%add3A, %dma_start3A_90, %dma_start3A_91] : memref<32x64x48xi32, #tpu.memory_space<hbm>> -> memref<1x64x48xi32, #tpu.memory_space<hbm>>
      %dma_start3A_93 = tpu.memref_squeeze %dma_start3A_92 : memref<1x64x48xi32, #tpu.memory_space<hbm>> -> memref<64x48xi32, #tpu.memory_space<hbm>>
      tpu.enqueue_dma source(%dma_start3A_93 : memref<64x48xi32, #tpu.memory_space<hbm>>) target(%arg5 : memref<64x48xi32, #tpu.memory_space<vmem>>) target_semaphore(%run_scoped3A : memref<!tpu.dma_semaphore, #tpu.memory_space<semaphore_mem>>)
      %dma_wait3A_94 = arith.constant 0 : i32
      %dma_wait3A_95 = arith.constant 0 : i32
      %dma_wait3A_96 = tpu.memref_slice %arg2[%add3A, %dma_wait3A_94, %dma_wait3A_95] : memref<32x64x48xi32, #tpu.memory_space<hbm>> -> memref<1x64x48xi32, #tpu.memory_space<hbm>>
      %dma_wait3A_97 = tpu.memref_squeeze %dma_wait3A_96 : memref<1x64x48xi32, #tpu.memory_space<hbm>> -> memref<64x48xi32, #tpu.memory_space<hbm>>
      %dma_wait3A_98 = arith.constant 0 : i32
      %dma_wait3A_99 = arith.constant 0 : i32
      %dma_wait3A_100 = tpu.memref_slice %arg2[%add3A, %dma_wait3A_98, %dma_wait3A_99] : memref<32x64x48xi32, #tpu.memory_space<hbm>> -> memref<1x64x48xi32, #tpu.memory_space<hbm>>
      %dma_wait3A_101 = tpu.memref_squeeze %dma_wait3A_100 : memref<1x64x48xi32, #tpu.memory_space<hbm>> -> memref<64x48xi32, #tpu.memory_space<hbm>>
      tpu.wait_dma2 semaphore(%run_scoped3A : memref<!tpu.dma_semaphore, #tpu.memory_space<semaphore_mem>>) src(%dma_wait3A_101 : memref<64x48xi32, #tpu.memory_space<hbm>>) dst(%arg5 : memref<64x48xi32, #tpu.memory_space<vmem>>)
      tpu.yield
    }) : () -> ()
    %dma_start3A = arith.constant 0 : i32
    %dma_start3A_3 = arith.constant 0 : i32
    %dma_start3A_4 = arith.constant 0 : i32
    %dma_start3A_5 = arith.constant 0 : i32
    %dma_start3A_6 = tpu.memref_slice %arg6[%dma_start3A_3, %dma_start3A_4, %dma_start3A_5] : memref<1x48x1024xf32, #tpu.memory_space<vmem>> -> memref<1x48x1024xf32, #tpu.memory_space<vmem>>
    %dma_start3A_7 = tpu.memref_squeeze %dma_start3A_6 : memref<1x48x1024xf32, #tpu.memory_space<vmem>> -> memref<48x1024xf32, #tpu.memory_space<vmem>>
    %dma_start3A_8 = arith.constant 0 : i32
    %dma_start3A_9 = tpu.memref_slice %arg5[%dma_start3A, %dma_start3A_8] : memref<64x48xi32, #tpu.memory_space<vmem>> -> memref<1x48xi32, #tpu.memory_space<vmem>>
    %dma_start3A_10 = tpu.memref_squeeze %dma_start3A_9 : memref<1x48xi32, #tpu.memory_space<vmem>> -> memref<48xi32, #tpu.memory_space<vmem>>
    %dma_start3A_11 = arith.constant 0 : i32
    %dma_start3A_12 = arith.constant 0 : i32
    %dma_start3A_13 = tpu.memref_slice %arg3[%dma_start3A_11, %dma_start3A_12] : memref<1000x1024xf32, #tpu.memory_space<hbm>> -> memref<1000x1024xf32, #tpu.memory_space<hbm>>
    tpu.enqueue_indirect_dma source(%dma_start3A_13 : memref<1000x1024xf32, #tpu.memory_space<hbm>>) target(%dma_start3A_7 : memref<48x1024xf32, #tpu.memory_space<vmem>>) offsets(%dma_start3A_10 : memref<48xi32, #tpu.memory_space<vmem>>) semaphore(%arg8 : memref<!tpu.dma_semaphore, #tpu.memory_space<semaphore_mem>>)
    %dma_start3A_14 = arith.constant 1 : i32
    %dma_start3A_15 = arith.constant 0 : i32
    %dma_start3A_16 = arith.constant 0 : i32
    %dma_start3A_17 = arith.constant 0 : i32
    %dma_start3A_18 = tpu.memref_slice %arg7[%dma_start3A_15, %dma_start3A_16, %dma_start3A_17] : memref<1x48x1024xf32, #tpu.memory_space<vmem>> -> memref<1x48x1024xf32, #tpu.memory_space<vmem>>
    %dma_start3A_19 = tpu.memref_squeeze %dma_start3A_18 : memref<1x48x1024xf32, #tpu.memory_space<vmem>> -> memref<48x1024xf32, #tpu.memory_space<vmem>>
    %dma_start3A_20 = arith.constant 0 : i32
    %dma_start3A_21 = tpu.memref_slice %arg5[%dma_start3A_14, %dma_start3A_20] : memref<64x48xi32, #tpu.memory_space<vmem>> -> memref<1x48xi32, #tpu.memory_space<vmem>>
    %dma_start3A_22 = tpu.memref_squeeze %dma_start3A_21 : memref<1x48xi32, #tpu.memory_space<vmem>> -> memref<48xi32, #tpu.memory_space<vmem>>
    %dma_start3A_23 = arith.constant 0 : i32
    %dma_start3A_24 = arith.constant 0 : i32
    %dma_start3A_25 = tpu.memref_slice %arg3[%dma_start3A_23, %dma_start3A_24] : memref<1000x1024xf32, #tpu.memory_space<hbm>> -> memref<1000x1024xf32, #tpu.memory_space<hbm>>
    tpu.enqueue_indirect_dma source(%dma_start3A_25 : memref<1000x1024xf32, #tpu.memory_space<hbm>>) target(%dma_start3A_19 : memref<48x1024xf32, #tpu.memory_space<vmem>>) offsets(%dma_start3A_22 : memref<48xi32, #tpu.memory_space<vmem>>) semaphore(%arg9 : memref<!tpu.dma_semaphore, #tpu.memory_space<semaphore_mem>>)
    %scan3A = arith.constant 0 : i32
    %scan3A_26 = arith.constant 0 : i32
    %scan3A_27 = arith.constant 31 : i32
    %scan3A_28 = arith.addi %scan3A_26, %scan3A_27 : i32
    %scan3A_29 = arith.constant 1 : i32
    scf.for %scan3A_86 = %scan3A_26 to %scan3A_28 step %scan3A_29  : i32 {
      %mul3A_87 = arith.constant 2 : i32
      %mul3A_88 = arith.muli %scan3A_86, %mul3A_87 : i32
      %add3A_89 = arith.constant 0 : i32
      %add3A_90 = arith.addi %mul3A_88, %add3A_89 : i32
      %dma_wait3A_91 = arith.constant 0 : i32
      %dma_wait3A_92 = arith.constant 0 : i32
      %dma_wait3A_93 = arith.constant 0 : i32
      %dma_wait3A_94 = tpu.memref_slice %arg6[%dma_wait3A_91, %dma_wait3A_92, %dma_wait3A_93] : memref<1x48x1024xf32, #tpu.memory_space<vmem>> -> memref<1x48x1024xf32, #tpu.memory_space<vmem>>
      %dma_wait3A_95 = tpu.memref_squeeze %dma_wait3A_94 : memref<1x48x1024xf32, #tpu.memory_space<vmem>> -> memref<48x1024xf32, #tpu.memory_space<vmem>>
      %dma_wait3A_96 = arith.constant 0 : i32
      %dma_wait3A_97 = tpu.memref_slice %arg5[%add3A_90, %dma_wait3A_96] : memref<64x48xi32, #tpu.memory_space<vmem>> -> memref<1x48xi32, #tpu.memory_space<vmem>>
      %dma_wait3A_98 = tpu.memref_squeeze %dma_wait3A_97 : memref<1x48xi32, #tpu.memory_space<vmem>> -> memref<48xi32, #tpu.memory_space<vmem>>
      %dma_wait3A_99 = arith.constant 0 : i32
      %dma_wait3A_100 = arith.constant 0 : i32
      %dma_wait3A_101 = tpu.memref_slice %arg3[%dma_wait3A_99, %dma_wait3A_100] : memref<1000x1024xf32, #tpu.memory_space<hbm>> -> memref<1000x1024xf32, #tpu.memory_space<hbm>>
      tpu.wait_indirect_dma semaphore(%arg8 : memref<!tpu.dma_semaphore, #tpu.memory_space<semaphore_mem>>) src(%dma_wait3A_101 : memref<1000x1024xf32, #tpu.memory_space<hbm>>) dst(%dma_wait3A_95 : memref<48x1024xf32, #tpu.memory_space<vmem>>)
      %add3A_102 = arith.addi %mul3A_2, %add3A_90 : i32
      %dma_start3A_103 = arith.constant 0 : i32
      %dma_start3A_104 = arith.constant 0 : i32
      %dma_start3A_105 = tpu.memref_slice %arg4[%add3A_102, %dma_start3A_103, %dma_start3A_104] : memref<2048x48x1024xf32, #tpu.memory_space<hbm>> -> memref<1x48x1024xf32, #tpu.memory_space<hbm>>
      %dma_start3A_106 = arith.constant 0 : i32
      %dma_start3A_107 = arith.constant 0 : i32
      %dma_start3A_108 = tpu.memref_slice %arg4[%add3A_102, %dma_start3A_106, %dma_start3A_107] : memref<2048x48x1024xf32, #tpu.memory_space<hbm>> -> memref<1x48x1024xf32, #tpu.memory_space<hbm>>
      tpu.enqueue_dma source(%arg6 : memref<1x48x1024xf32, #tpu.memory_space<vmem>>) target(%dma_start3A_108 : memref<1x48x1024xf32, #tpu.memory_space<hbm>>) target_semaphore(%arg10 : memref<!tpu.dma_semaphore, #tpu.memory_space<semaphore_mem>>)
      %mul3A_109 = arith.constant 2 : i32
      %mul3A_110 = arith.muli %scan3A_86, %mul3A_109 : i32
      %add3A_111 = arith.constant 1 : i32
      %add3A_112 = arith.addi %mul3A_110, %add3A_111 : i32
      %dma_wait3A_113 = arith.constant 0 : i32
      %dma_wait3A_114 = arith.constant 0 : i32
      %dma_wait3A_115 = arith.constant 0 : i32
      %dma_wait3A_116 = tpu.memref_slice %arg7[%dma_wait3A_113, %dma_wait3A_114, %dma_wait3A_115] : memref<1x48x1024xf32, #tpu.memory_space<vmem>> -> memref<1x48x1024xf32, #tpu.memory_space<vmem>>
      %dma_wait3A_117 = tpu.memref_squeeze %dma_wait3A_116 : memref<1x48x1024xf32, #tpu.memory_space<vmem>> -> memref<48x1024xf32, #tpu.memory_space<vmem>>
      %dma_wait3A_118 = arith.constant 0 : i32
      %dma_wait3A_119 = tpu.memref_slice %arg5[%add3A_112, %dma_wait3A_118] : memref<64x48xi32, #tpu.memory_space<vmem>> -> memref<1x48xi32, #tpu.memory_space<vmem>>
      %dma_wait3A_120 = tpu.memref_squeeze %dma_wait3A_119 : memref<1x48xi32, #tpu.memory_space<vmem>> -> memref<48xi32, #tpu.memory_space<vmem>>
      %dma_wait3A_121 = arith.constant 0 : i32
      %dma_wait3A_122 = arith.constant 0 : i32
      %dma_wait3A_123 = tpu.memref_slice %arg3[%dma_wait3A_121, %dma_wait3A_122] : memref<1000x1024xf32, #tpu.memory_space<hbm>> -> memref<1000x1024xf32, #tpu.memory_space<hbm>>
      tpu.wait_indirect_dma semaphore(%arg9 : memref<!tpu.dma_semaphore, #tpu.memory_space<semaphore_mem>>) src(%dma_wait3A_123 : memref<1000x1024xf32, #tpu.memory_space<hbm>>) dst(%dma_wait3A_117 : memref<48x1024xf32, #tpu.memory_space<vmem>>)
      %add3A_124 = arith.addi %mul3A_2, %add3A_112 : i32
      %dma_start3A_125 = arith.constant 0 : i32
      %dma_start3A_126 = arith.constant 0 : i32
      %dma_start3A_127 = tpu.memref_slice %arg4[%add3A_124, %dma_start3A_125, %dma_start3A_126] : memref<2048x48x1024xf32, #tpu.memory_space<hbm>> -> memref<1x48x1024xf32, #tpu.memory_space<hbm>>
      %dma_start3A_128 = arith.constant 0 : i32
      %dma_start3A_129 = arith.constant 0 : i32
      %dma_start3A_130 = tpu.memref_slice %arg4[%add3A_124, %dma_start3A_128, %dma_start3A_129] : memref<2048x48x1024xf32, #tpu.memory_space<hbm>> -> memref<1x48x1024xf32, #tpu.memory_space<hbm>>
      tpu.enqueue_dma source(%arg7 : memref<1x48x1024xf32, #tpu.memory_space<vmem>>) target(%dma_start3A_130 : memref<1x48x1024xf32, #tpu.memory_space<hbm>>) target_semaphore(%arg11 : memref<!tpu.dma_semaphore, #tpu.memory_space<semaphore_mem>>)
      %mul3A_131 = arith.constant 2 : i32
      %mul3A_132 = arith.muli %scan3A_86, %mul3A_131 : i32
      %add3A_133 = arith.constant 0 : i32
      %add3A_134 = arith.addi %mul3A_132, %add3A_133 : i32
      %add3A_135 = arith.addi %mul3A_2, %add3A_134 : i32
      %dma_wait3A_136 = arith.constant 0 : i32
      %dma_wait3A_137 = arith.constant 0 : i32
      %dma_wait3A_138 = tpu.memref_slice %arg4[%add3A_135, %dma_wait3A_136, %dma_wait3A_137] : memref<2048x48x1024xf32, #tpu.memory_space<hbm>> -> memref<1x48x1024xf32, #tpu.memory_space<hbm>>
      %dma_wait3A_139 = arith.constant 0 : i32
      %dma_wait3A_140 = arith.constant 0 : i32
      %dma_wait3A_141 = tpu.memref_slice %arg4[%add3A_135, %dma_wait3A_139, %dma_wait3A_140] : memref<2048x48x1024xf32, #tpu.memory_space<hbm>> -> memref<1x48x1024xf32, #tpu.memory_space<hbm>>
      tpu.wait_dma2 semaphore(%arg10 : memref<!tpu.dma_semaphore, #tpu.memory_space<semaphore_mem>>) src(%arg6 : memref<1x48x1024xf32, #tpu.memory_space<vmem>>) dst(%dma_wait3A_141 : memref<1x48x1024xf32, #tpu.memory_space<hbm>>)
      %add3A_142 = arith.constant 2 : i32
      %add3A_143 = arith.addi %add3A_134, %add3A_142 : i32
      %dma_start3A_144 = arith.constant 0 : i32
      %dma_start3A_145 = arith.constant 0 : i32
      %dma_start3A_146 = arith.constant 0 : i32
      %dma_start3A_147 = tpu.memref_slice %arg6[%dma_start3A_144, %dma_start3A_145, %dma_start3A_146] : memref<1x48x1024xf32, #tpu.memory_space<vmem>> -> memref<1x48x1024xf32, #tpu.memory_space<vmem>>
      %dma_start3A_148 = tpu.memref_squeeze %dma_start3A_147 : memref<1x48x1024xf32, #tpu.memory_space<vmem>> -> memref<48x1024xf32, #tpu.memory_space<vmem>>
      %dma_start3A_149 = arith.constant 0 : i32
      %dma_start3A_150 = tpu.memref_slice %arg5[%add3A_143, %dma_start3A_149] : memref<64x48xi32, #tpu.memory_space<vmem>> -> memref<1x48xi32, #tpu.memory_space<vmem>>
      %dma_start3A_151 = tpu.memref_squeeze %dma_start3A_150 : memref<1x48xi32, #tpu.memory_space<vmem>> -> memref<48xi32, #tpu.memory_space<vmem>>
      %dma_start3A_152 = arith.constant 0 : i32
      %dma_start3A_153 = arith.constant 0 : i32
      %dma_start3A_154 = tpu.memref_slice %arg3[%dma_start3A_152, %dma_start3A_153] : memref<1000x1024xf32, #tpu.memory_space<hbm>> -> memref<1000x1024xf32, #tpu.memory_space<hbm>>
      tpu.enqueue_indirect_dma source(%dma_start3A_154 : memref<1000x1024xf32, #tpu.memory_space<hbm>>) target(%dma_start3A_148 : memref<48x1024xf32, #tpu.memory_space<vmem>>) offsets(%dma_start3A_151 : memref<48xi32, #tpu.memory_space<vmem>>) semaphore(%arg8 : memref<!tpu.dma_semaphore, #tpu.memory_space<semaphore_mem>>)
      %mul3A_155 = arith.constant 2 : i32
      %mul3A_156 = arith.muli %scan3A_86, %mul3A_155 : i32
      %add3A_157 = arith.constant 1 : i32
      %add3A_158 = arith.addi %mul3A_156, %add3A_157 : i32
      %add3A_159 = arith.addi %mul3A_2, %add3A_158 : i32
      %dma_wait3A_160 = arith.constant 0 : i32
      %dma_wait3A_161 = arith.constant 0 : i32
      %dma_wait3A_162 = tpu.memref_slice %arg4[%add3A_159, %dma_wait3A_160, %dma_wait3A_161] : memref<2048x48x1024xf32, #tpu.memory_space<hbm>> -> memref<1x48x1024xf32, #tpu.memory_space<hbm>>
      %dma_wait3A_163 = arith.constant 0 : i32
      %dma_wait3A_164 = arith.constant 0 : i32
      %dma_wait3A_165 = tpu.memref_slice %arg4[%add3A_159, %dma_wait3A_163, %dma_wait3A_164] : memref<2048x48x1024xf32, #tpu.memory_space<hbm>> -> memref<1x48x1024xf32, #tpu.memory_space<hbm>>
      tpu.wait_dma2 semaphore(%arg11 : memref<!tpu.dma_semaphore, #tpu.memory_space<semaphore_mem>>) src(%arg7 : memref<1x48x1024xf32, #tpu.memory_space<vmem>>) dst(%dma_wait3A_165 : memref<1x48x1024xf32, #tpu.memory_space<hbm>>)
      %add3A_166 = arith.constant 2 : i32
      %add3A_167 = arith.addi %add3A_158, %add3A_166 : i32
      %dma_start3A_168 = arith.constant 0 : i32
      %dma_start3A_169 = arith.constant 0 : i32
      %dma_start3A_170 = arith.constant 0 : i32
      %dma_start3A_171 = tpu.memref_slice %arg7[%dma_start3A_168, %dma_start3A_169, %dma_start3A_170] : memref<1x48x1024xf32, #tpu.memory_space<vmem>> -> memref<1x48x1024xf32, #tpu.memory_space<vmem>>
      %dma_start3A_172 = tpu.memref_squeeze %dma_start3A_171 : memref<1x48x1024xf32, #tpu.memory_space<vmem>> -> memref<48x1024xf32, #tpu.memory_space<vmem>>
      %dma_start3A_173 = arith.constant 0 : i32
      %dma_start3A_174 = tpu.memref_slice %arg5[%add3A_167, %dma_start3A_173] : memref<64x48xi32, #tpu.memory_space<vmem>> -> memref<1x48xi32, #tpu.memory_space<vmem>>
      %dma_start3A_175 = tpu.memref_squeeze %dma_start3A_174 : memref<1x48xi32, #tpu.memory_space<vmem>> -> memref<48xi32, #tpu.memory_space<vmem>>
      %dma_start3A_176 = arith.constant 0 : i32
      %dma_start3A_177 = arith.constant 0 : i32
      %dma_start3A_178 = tpu.memref_slice %arg3[%dma_start3A_176, %dma_start3A_177] : memref<1000x1024xf32, #tpu.memory_space<hbm>> -> memref<1000x1024xf32, #tpu.memory_space<hbm>>
      tpu.enqueue_indirect_dma source(%dma_start3A_178 : memref<1000x1024xf32, #tpu.memory_space<hbm>>) target(%dma_start3A_172 : memref<48x1024xf32, #tpu.memory_space<vmem>>) offsets(%dma_start3A_175 : memref<48xi32, #tpu.memory_space<vmem>>) semaphore(%arg9 : memref<!tpu.dma_semaphore, #tpu.memory_space<semaphore_mem>>)
    }
    %scan3A_30 = arith.constant 31 : i32
    %dma_wait3A = arith.constant 62 : i32
    %dma_wait3A_31 = arith.constant 0 : i32
    %dma_wait3A_32 = arith.constant 0 : i32
    %dma_wait3A_33 = arith.constant 0 : i32
    %dma_wait3A_34 = tpu.memref_slice %arg6[%dma_wait3A_31, %dma_wait3A_32, %dma_wait3A_33] : memref<1x48x1024xf32, #tpu.memory_space<vmem>> -> memref<1x48x1024xf32, #tpu.memory_space<vmem>>
    %dma_wait3A_35 = tpu.memref_squeeze %dma_wait3A_34 : memref<1x48x1024xf32, #tpu.memory_space<vmem>> -> memref<48x1024xf32, #tpu.memory_space<vmem>>
    %dma_wait3A_36 = arith.constant 0 : i32
    %dma_wait3A_37 = tpu.memref_slice %arg5[%dma_wait3A, %dma_wait3A_36] : memref<64x48xi32, #tpu.memory_space<vmem>> -> memref<1x48xi32, #tpu.memory_space<vmem>>
    %dma_wait3A_38 = tpu.memref_squeeze %dma_wait3A_37 : memref<1x48xi32, #tpu.memory_space<vmem>> -> memref<48xi32, #tpu.memory_space<vmem>>
    %dma_wait3A_39 = arith.constant 0 : i32
    %dma_wait3A_40 = arith.constant 0 : i32
    %dma_wait3A_41 = tpu.memref_slice %arg3[%dma_wait3A_39, %dma_wait3A_40] : memref<1000x1024xf32, #tpu.memory_space<hbm>> -> memref<1000x1024xf32, #tpu.memory_space<hbm>>
    tpu.wait_indirect_dma semaphore(%arg8 : memref<!tpu.dma_semaphore, #tpu.memory_space<semaphore_mem>>) src(%dma_wait3A_41 : memref<1000x1024xf32, #tpu.memory_space<hbm>>) dst(%dma_wait3A_35 : memref<48x1024xf32, #tpu.memory_space<vmem>>)
    %add3A_42 = arith.constant 62 : i32
    %add3A_43 = arith.addi %mul3A_2, %add3A_42 : i32
    %dma_start3A_44 = arith.constant 0 : i32
    %dma_start3A_45 = arith.constant 0 : i32
    %dma_start3A_46 = tpu.memref_slice %arg4[%add3A_43, %dma_start3A_44, %dma_start3A_45] : memref<2048x48x1024xf32, #tpu.memory_space<hbm>> -> memref<1x48x1024xf32, #tpu.memory_space<hbm>>
    %dma_start3A_47 = arith.constant 0 : i32
    %dma_start3A_48 = arith.constant 0 : i32
    %dma_start3A_49 = tpu.memref_slice %arg4[%add3A_43, %dma_start3A_47, %dma_start3A_48] : memref<2048x48x1024xf32, #tpu.memory_space<hbm>> -> memref<1x48x1024xf32, #tpu.memory_space<hbm>>
    tpu.enqueue_dma source(%arg6 : memref<1x48x1024xf32, #tpu.memory_space<vmem>>) target(%dma_start3A_49 : memref<1x48x1024xf32, #tpu.memory_space<hbm>>) target_semaphore(%arg10 : memref<!tpu.dma_semaphore, #tpu.memory_space<semaphore_mem>>)
    %dma_wait3A_50 = arith.constant 63 : i32
    %dma_wait3A_51 = arith.constant 0 : i32
    %dma_wait3A_52 = arith.constant 0 : i32
    %dma_wait3A_53 = arith.constant 0 : i32
    %dma_wait3A_54 = tpu.memref_slice %arg7[%dma_wait3A_51, %dma_wait3A_52, %dma_wait3A_53] : memref<1x48x1024xf32, #tpu.memory_space<vmem>> -> memref<1x48x1024xf32, #tpu.memory_space<vmem>>
    %dma_wait3A_55 = tpu.memref_squeeze %dma_wait3A_54 : memref<1x48x1024xf32, #tpu.memory_space<vmem>> -> memref<48x1024xf32, #tpu.memory_space<vmem>>
    %dma_wait3A_56 = arith.constant 0 : i32
    %dma_wait3A_57 = tpu.memref_slice %arg5[%dma_wait3A_50, %dma_wait3A_56] : memref<64x48xi32, #tpu.memory_space<vmem>> -> memref<1x48xi32, #tpu.memory_space<vmem>>
    %dma_wait3A_58 = tpu.memref_squeeze %dma_wait3A_57 : memref<1x48xi32, #tpu.memory_space<vmem>> -> memref<48xi32, #tpu.memory_space<vmem>>
    %dma_wait3A_59 = arith.constant 0 : i32
    %dma_wait3A_60 = arith.constant 0 : i32
    %dma_wait3A_61 = tpu.memref_slice %arg3[%dma_wait3A_59, %dma_wait3A_60] : memref<1000x1024xf32, #tpu.memory_space<hbm>> -> memref<1000x1024xf32, #tpu.memory_space<hbm>>
    tpu.wait_indirect_dma semaphore(%arg9 : memref<!tpu.dma_semaphore, #tpu.memory_space<semaphore_mem>>) src(%dma_wait3A_61 : memref<1000x1024xf32, #tpu.memory_space<hbm>>) dst(%dma_wait3A_55 : memref<48x1024xf32, #tpu.memory_space<vmem>>)
    %add3A_62 = arith.constant 63 : i32
    %add3A_63 = arith.addi %mul3A_2, %add3A_62 : i32
    %dma_start3A_64 = arith.constant 0 : i32
    %dma_start3A_65 = arith.constant 0 : i32
    %dma_start3A_66 = tpu.memref_slice %arg4[%add3A_63, %dma_start3A_64, %dma_start3A_65] : memref<2048x48x1024xf32, #tpu.memory_space<hbm>> -> memref<1x48x1024xf32, #tpu.memory_space<hbm>>
    %dma_start3A_67 = arith.constant 0 : i32
    %dma_start3A_68 = arith.constant 0 : i32
    %dma_start3A_69 = tpu.memref_slice %arg4[%add3A_63, %dma_start3A_67, %dma_start3A_68] : memref<2048x48x1024xf32, #tpu.memory_space<hbm>> -> memref<1x48x1024xf32, #tpu.memory_space<hbm>>
    tpu.enqueue_dma source(%arg7 : memref<1x48x1024xf32, #tpu.memory_space<vmem>>) target(%dma_start3A_69 : memref<1x48x1024xf32, #tpu.memory_space<hbm>>) target_semaphore(%arg11 : memref<!tpu.dma_semaphore, #tpu.memory_space<semaphore_mem>>)
    %add3A_70 = arith.constant 62 : i32
    %add3A_71 = arith.addi %mul3A_2, %add3A_70 : i32
    %dma_wait3A_72 = arith.constant 0 : i32
    %dma_wait3A_73 = arith.constant 0 : i32
    %dma_wait3A_74 = tpu.memref_slice %arg4[%add3A_71, %dma_wait3A_72, %dma_wait3A_73] : memref<2048x48x1024xf32, #tpu.memory_space<hbm>> -> memref<1x48x1024xf32, #tpu.memory_space<hbm>>
    %dma_wait3A_75 = arith.constant 0 : i32
    %dma_wait3A_76 = arith.constant 0 : i32
    %dma_wait3A_77 = tpu.memref_slice %arg4[%add3A_71, %dma_wait3A_75, %dma_wait3A_76] : memref<2048x48x1024xf32, #tpu.memory_space<hbm>> -> memref<1x48x1024xf32, #tpu.memory_space<hbm>>
    tpu.wait_dma2 semaphore(%arg10 : memref<!tpu.dma_semaphore, #tpu.memory_space<semaphore_mem>>) src(%arg6 : memref<1x48x1024xf32, #tpu.memory_space<vmem>>) dst(%dma_wait3A_77 : memref<1x48x1024xf32, #tpu.memory_space<hbm>>)
    %add3A_78 = arith.constant 63 : i32
    %add3A_79 = arith.addi %mul3A_2, %add3A_78 : i32
    %dma_wait3A_80 = arith.constant 0 : i32
    %dma_wait3A_81 = arith.constant 0 : i32
    %dma_wait3A_82 = tpu.memref_slice %arg4[%add3A_79, %dma_wait3A_80, %dma_wait3A_81] : memref<2048x48x1024xf32, #tpu.memory_space<hbm>> -> memref<1x48x1024xf32, #tpu.memory_space<hbm>>
    %dma_wait3A_83 = arith.constant 0 : i32
    %dma_wait3A_84 = arith.constant 0 : i32
    %dma_wait3A_85 = tpu.memref_slice %arg4[%add3A_79, %dma_wait3A_83, %dma_wait3A_84] : memref<2048x48x1024xf32, #tpu.memory_space<hbm>> -> memref<1x48x1024xf32, #tpu.memory_space<hbm>>
    tpu.wait_dma2 semaphore(%arg11 : memref<!tpu.dma_semaphore, #tpu.memory_space<semaphore_mem>>) src(%arg7 : memref<1x48x1024xf32, #tpu.memory_space<vmem>>) dst(%dma_wait3A_85 : memref<1x48x1024xf32, #tpu.memory_space<hbm>>)
    return
  }
}

</mosaic_0001>

<sc_bundles>
// kernel: kernel.3.cloned.1.call-start
scs
__scs_entry_jumppad:
0x0: {  	(pc) =	sbr.rel $0x88, $3  }
0x1: {  	(tag) =	ssettag $0x0;
	lr =	simm.s32 $0x1  }
0x2: {  	[smem:$0x3F9F] =	sst lr;
	_ =	strace $0xD0000000  }
0x3: {  	_ = 	snop  }
0x4: {  	_ = 	snop  }
0x5: {  	_ = 	snop  }
0x6: {  	_ = 	snop  }
0x7: {  	_ = 	snop  }
__scs_overlays_trampoline_lowered:
0x8: {  	[smem:$0x3FAE] =	sst s0  }
0x9: {  	[smem:$0x3FAF] =	sst s1  }
0xa: {  	[smem:$0x3FB0] =	sst s2  }
0xb: {  	[smem:$0x3FB1] =	sst s3  }
0xc: {  	[smem:$0x3FB2] =	sst s4  }
0xd: {  	[smem:$0x3FB3] =	sst s5  }
0xe: {  	[smem:$0x3FB4] =	sst s6  }
0xf: {  	[smem:$0x3FB5] =	sst s7  }
0x10: {  	[smem:$0x3FB6] =	sst s8  }
0x11: {  	[smem:$0x3FB7] =	sst s9;
	s0 =	simm.s32 @!p0 $0x0  }
0x12: {  	s1 =	sld [smem:$0x3F9D];
	s0 =	simm.s32 @p0 $0x1  }
0x13: {  	[smem:$0x3FB8] =	sst s0;
	s0 =	simm.s32 @!p1 $0x0  }
0x14: {  	s2 =	sld [smem:$0x3F9C];
	s0 =	simm.s32 @p1 $0x1  }
0x15: {  	[smem:$0x3FB9] =	sst s0;
	s0 =	simm.s32 @!p2 $0x0  }
0x16: {  	s3 =	sld [smem:$0x3FDB];
	s0 =	simm.s32 @p2 $0x1  }
0x17: {  	s4 =	simm.s32 $0x1BF5;
	[smem:$0x3FBB] =	sst s0  }
0x18: {  	s0 =	sld [smem:$0x3F9E];
	_ =	swait.ge [sflag:s4], $0x0  }
0x19: {  	s7 =	sld [smem:$0x3F9F]  }
0x1a: {  	s8 =	sadd.s32 $0xFFFFE003, lr  }
0x1b: {  	s9 =	sadd.s32 $0xFFFFFEF7, lr;
	s5 =	simm.s32 $0xFFFFFFFF;
	p2 =	slt.u32 s8, $0xFFFFF086  }
0x1c: {  	p1 =	slt.u32 s9, $0xF7A;
	s5 =	simm.s32 @!p2 $0x0  }
0x1d: {  	s5 =	simm.s32 @p1 $0x1;
	p0 =	seq.s32 s7, s2  }
0x1e: {  	s7 =	smul.u32 @!p0 $0xF7A, s2;
	p2 =	seq.s32 @!p0 s5, $0x0  }
0x1f: {  	s9 =	smul.u32 $0xF7A, s1;
	s8 =	simm.s32 @!p0 $0x1BF5;
	p2 =	por !p2, p0  }
0x20: {  	[sflag:s8] =	ssyncset.s32 @!p0 $0xFFFFF086;
	s6 =	sadd.s32 @!p0 s3, s7;
	s7 =	simm.s32 @!p0 $0x108  }
0x21: {  	s3 =	sadd.s32 s3, s9;
	s6 =	sadd.s32 @!p0 $0x88, s6;
	s7 =	simm.s32 @p2 $0x1082  }
0x22: {  	[simem:s7], [sflag:s8] =	dma.local @!p0 [hbm:s6], $0xF7A  }
0x23: {  	s9 =	sor.u32 $0xD0000000, s2;
	s6 =	simm.s32 $0x108;
	_ =	swait.ge @!p0 [sflag:s8], $0x0  }
0x24: {  	s3 =	sadd.s32 $0x88, s3;
	s6 =	simm.s32 @!p1 $0x1082;
	[sflag:s4] =	ssyncset.s32 $0xFFFFF086  }
0x25: {  	[simem:s6], [sflag:s4] =	dma.local [hbm:s3], $0xF7A  }
0x26: {  	[smem:$0x3F9F] =	sst s1;
	(tag) =	ssettag s2;
	_ =	strace s9  }
0x27: {  	s1 =	sld [smem:$0x3FAF]  }
0x28: {  	s2 =	sld [smem:$0x3FB0]  }
0x29: {  	s4 =	sld [smem:$0x3FB2]  }
0x2a: {  	p0 =	seq.s32 s5, $0x0;
	s5 =	sld [smem:$0x3FB3]  }
0x2b: {  	s6 =	sld [smem:$0x3FB4]  }
0x2c: {  	s7 =	sld [smem:$0x3FB5]  }
0x2d: {  	s3 =	simm.s32 $0x108;
	s8 =	sld [smem:$0x3FB6]  }
0x2e: {  	s3 =	simm.s32 @!p0 $0x1082;
	s9 =	sld [smem:$0x3FB7]  }
0x2f: {  	lr =	sadd.s32 s0, s3;
	s0 =	sld [smem:$0x3FAE]  }
0x30: {  	s3 =	sld [smem:$0x3FB1]  }
0x31: {  	[smem:$0x3FBA] =	sst s10  }
0x32: {  	s10 =	sld [smem:$0x3FB8];
	_ =	sdelay $0x3  }
0x33: {  	p0 =	seq.s32 s10, $0x1;
	s10 =	sld [smem:$0x3FBA];
	_ =	sdelay $0x3  }
0x34: {  	[smem:$0x3FBA] =	sst s10  }
0x35: {  	s10 =	sld [smem:$0x3FB9];
	_ =	sdelay $0x3  }
0x36: {  	p1 =	seq.s32 s10, $0x1;
	s10 =	sld [smem:$0x3FBA];
	_ =	sdelay $0x3  }
0x37: {  	[smem:$0x3FBA] =	sst s10  }
0x38: {  	s10 =	sld [smem:$0x3FBB]  }
0x39: {  	_ = 	snop;
	(pc) =	sbr.ind lr, $3  }
0x3a: {  	_ = 	snop  }
0x3b: {  	_ = 	snop  }
0x3c: {  	p2 =	seq.s32 s10, $0x1;
	s10 =	sld [smem:$0x3FBA]  }
0x3d: {  	_ =	shalt  }
0x3e: {  	_ =	shalt  }
0x3f: {  	_ =	shalt  }
0x40: {  	_ =	shalt  }
0x41: {  	_ =	shalt  }
0x42: {  	_ =	shalt  }
0x43: {  	_ =	shalt  }
0x44: {  	_ =	shalt  }
0x45: {  	_ =	shalt  }
0x46: {  	_ =	shalt  }
0x47: {  	_ =	shalt  }
0x48: {  	_ =	shalt  }
0x49: {  	_ =	shalt  }
0x4a: {  	_ =	shalt  }
0x4b: {  	_ =	shalt  }
0x4c: {  	_ =	shalt  }
0x4d: {  	_ =	shalt  }
0x4e: {  	_ =	shalt  }
0x4f: {  	_ =	shalt  }
0x50: {  	_ =	shalt  }
0x51: {  	_ =	shalt  }
0x52: {  	_ =	shalt  }
0x53: {  	_ =	shalt  }
0x54: {  	_ =	shalt  }
0x55: {  	_ =	shalt  }
0x56: {  	_ =	shalt  }
0x57: {  	_ =	shalt  }
0x58: {  	_ =	shalt  }
0x59: {  	_ =	shalt  }
0x5a: {  	_ =	shalt  }
0x5b: {  	_ =	shalt  }
0x5c: {  	_ =	shalt  }
0x5d: {  	_ =	shalt  }
0x5e: {  	_ =	shalt  }
0x5f: {  	_ =	shalt  }
0x60: {  	_ =	shalt  }
0x61: {  	_ =	shalt  }
0x62: {  	_ =	shalt  }
0x63: {  	_ =	shalt  }
0x64: {  	_ =	shalt  }
0x65: {  	_ =	shalt  }
0x66: {  	_ =	shalt  }
0x67: {  	_ =	shalt  }
0x68: {  	_ =	shalt  }
0x69: {  	_ =	shalt  }
0x6a: {  	_ =	shalt  }
0x6b: {  	_ =	shalt  }
0x6c: {  	_ =	shalt  }
0x6d: {  	_ =	shalt  }
0x6e: {  	_ =	shalt  }
0x6f: {  	_ =	shalt  }
0x70: {  	_ =	shalt  }
0x71: {  	_ =	shalt  }
0x72: {  	_ =	shalt  }
0x73: {  	_ =	shalt  }
0x74: {  	_ =	shalt  }
0x75: {  	_ =	shalt  }
0x76: {  	_ =	shalt  }
0x77: {  	_ =	shalt  }
0x78: {  	_ =	shalt  }
0x79: {  	_ =	shalt  }
0x7a: {  	_ =	shalt  }
0x7b: {  	_ =	shalt  }
0x7c: {  	_ =	shalt  }
0x7d: {  	_ =	shalt  }
0x7e: {  	_ =	shalt  }
0x7f: {  	_ =	shalt  }
0x80: {  	_ =	shalt  }
0x81: {  	_ =	shalt  }
0x82: {  	_ =	shalt  }
0x83: {  	_ =	shalt  }
0x84: {  	_ =	shalt  }
0x85: {  	_ =	shalt  }
0x86: {  	_ =	shalt  }
0x87: {  	_ =	shalt  }
.Lfunc_end0:
.L_simem_size_0:
called_computation.1_lowered:
.L_overlay_start_0:
0x88: {  	s2 =	sld [smem:$0x3FD9]  }
0x89: {  	s3 =	sld [smem:$0x3FFE];
	_ =	sdelay $0x1  }
0x8a: {  	s1 =	srdreg.scid  }
0x8b: {  	s0 =	sand.u32 $0x1, s1  }
0x8c: {  	s17 =	sshll.u32 s0, $0xA;
	s2 =	sadd.s32 s3, s2  }
0x8d: {  	s2 =	sadd.s32 s2, s17  }
0x8e: {  	[smem:$0x3FC6] =	sst s2  }
0x8f: {  	_ = 	snop  }
0x90: {  	s2 =	sld [smem:$0x3FD0];
	(tm) =	ssettm $0x1  }
0x91: {  	s18 =	sld [smem:$0x3FFB];
	_ =	sdelay $0x3  }
0x92: {  	_ =	strace s18  }
0x93: {  	s3 =	sld [smem:$0x3FFC];
	_ =	sdelay $0x3  }
0x94: {  	_ =	strace s3  }
0x95: {  	s3 =	sld [smem:$0x3FFD];
	_ =	sdelay $0x3  }
0x96: {  	_ =	strace s3  }
0x97: {  	_ =	strace $0x8FFFFFFF  }
0x98: {  	s19 =	sld [smem:$0x3FDB];
	_ =	sdelay $0x1  }
0x99: {  	s4 =	simm.s32 $_scs_section_size  }
0x9a: {  	s5 =	simm.s32 $_size__tile_overlayer_lowered;
	s6 =	simm.s32 $_tile_overlayer_lowered  }
0x9b: {  	s22 =	simm.s32 $0x1BFF;
	s21 =	sshll.u32 s6, $0x1;
	s3 =	sadd.s32 s4, s19  }
0x9c: {  	s7 =	simm.s32 $0x0;
	s20 =	sshll.u32 s5, $0x1;
	s5 =	sadd.s32 s21, s3  }
0x9d: {  	[timem:s7], [sflag:s22] =	dma.local [hbm:s5], s20  }
0x9e: {  	_ =	swait.ge [sflag:s22], s20  }
0x9f: {  	s4 =	ssub.s32 $0x0, s20;
	[sflag:s22] =	ssyncset.done $0x0  }
0xa0: {  	[sflag:s22] =	ssyncadd.s32 s4;
	_ =	sdelay $0x1  }
0xa1: {  	s23 =	simm.s32 $0x1B8B  }
0xa2: {  	_ =	swait.ge [sflag:s23], $0x1  }
0xa3: {  	[sflag:s23] =	ssyncset.done $0x0  }
0xa4: {  	s25 =	simm.s32 $0x1B8E;
	s24 =	sld [smem:$0x3FFE];
	[sflag:s23] =	ssyncadd.s32 $0xFFFFFFFF  }
0xa5: {  	s26 =	simm.s32 $execute0_lowered;
	[smem:$0x3FD2] =	sst s25  }
0xa6: {  	s5 =	sshll.u32 s26, $0x1;
	_ =	strace $0x80000046;
	[dreg:$0x1] =	wrdreg $0xFFFFFFFF  }
0xa7: {  	s28 =	simm.s32 $_size_execute0_lowered;
	s3 =	sadd.s32 s3, s5;
	[dreg:$0x0] =	wrdreg $0x0  }
0xa8: {  	s5 =	sshll.u32 s28, $0x1;
	[dreg:$0x2] =	wrdreg s3  }
0xa9: {  	[dreg:$0x3] =	wrdreg s5  }
0xaa: {  	[dreg:$0x4] =	wrdreg $0xC0  }
0xab: {  	_ =	task [dreg:s7], $0x5FFFF  }
0xac: {  	[dreg:$0x1] =	wrdreg $0xFFFFFFFF  }
0xad: {  	[dreg:$0x0] =	wrdreg $0x60  }
0xae: {  	[dreg:$0x2] =	wrdreg s24  }
0xaf: {  	[dreg:$0x3] =	wrdreg s2  }
0xb0: {  	[dreg:$0x4] =	wrdreg $0x9  }
0xb1: {  	_ =	task.clear_ibuf [dreg:s7], $0x5FFFF;
	_ =	strace $0x90000046  }
0xb2: {  	s29 =	simm.s32 $0x9;
	_ =	strace $0x80000048  }
0xb3: {  	_ =	swait.ge [sflag:s29], $0x1  }
0xb4: {  	[sflag:s29] =	ssyncadd.s32 $0xFFFFFFFF  }
0xb5: {  	_ =	strace $0x90000048  }
0xb6: {  	_ =	sfence  }
0xb7: {  	s30 =	sld [smem:$0x0];
	_ =	sdelay $0x2  }
0xb8: {  	s31 =	sshll.u32 s1, $0xD;
	s1 =	sshrl.u32 s1, $0x2  }
0xb9: {  	s3 =	sand.u32 $0x4000, s31;
	s1 =	sadd.s32 s1, s30  }
0xba: {  	s0 =	sor.u32 s3, s0;
	s1 =	sshll.u32 s1, $0x11  }
0xbb: {  	s0 =	sor.u32 s1, s0  }
0xbc: {  	s0 =	sadd.s32 $0x8F2B, s0  }
0xbd: {  	[sflag:s0] =	ssyncadd.remote.s32 $0x1  }
0xbe: {  	_ =	sfence.sel $0xFFFF  }
0xbf: {  	[dreg:$0x0] =	wrdreg $0xFFFFFFFF;
	(pc) =	sbr.abs _section_cstart, $3  }
0xc0: {  	[dreg:$0x1] =	wrdreg $0xFFFFFFFF  }
0xc1: {  	_ =	task.clear_ibuf [dreg:s7], $0x2FFFF;
	_ =	strace $0x9FFFFFFF  }
0xc2: {  	(tm) =	ssettm $0x7FFFFFFF  }
0xc3: {  	_ =	shalt  }
tec
execute0_lowered:
.L_overlay_start_1:
0x0: {  	(tag) =	ssettag $0x1  }
0x1: {  	s0 =	rddreg [dreg:$0x0];
	s1 =	srdreg.scid  }
0x2: {  	s9 =	stileid.u32;
	s2 =	rddreg [dreg:$0x1];
	s3 =	simm.s32 $0x0  }
0x3: {  	s10 =	simm.s32 $0x2000;
	s17 =	simm.s32 $0x2800;
	s16 =	simm.s32 $0x3000  }
0x4: {  	s18 =	simm.s32 $0x3800;
	s19 =	simm.s32 $0x4000;
	s20 =	simm.s32 $0x4800  }
0x5: {  	s21 =	simm.s32 $0x5000;
	s22 =	simm.s32 $0x5800;
	s28 =	simm.s32 $0x8000  }
0x6: {  	s29 =	simm.s32 $0x8800;
	s30 =	simm.s32 $0x9000;
	s31 =	simm.s32 $0x9800  }
0x7: {  	s12 =	simm.s32 $0xB800;
	s11 =	simm.s32 $0x2;
	s13 =	simm.s32 $0x3  }
0x8: {  	s14 =	simm.s32 $0x4;
	s15 =	simm.s32 $0x0;
	s1 =	sand.u32 $0x1, s1  }
0x9: {  	s4 =	sshll.u32 s9, $0x1;
	[smem:$0x7FF] =	sst s3;
	s23 =	smul.u32 $0xC0000, s9  }
0xa: {  	s9 =	simm.s32 $0x1;
	s4 =	sor.u32 s1, s4;
	_ =	strace $0x80000047  }
0xb: {  	s6 =	ssub.s32 $0x2, s1;
	s1 =	smul.u32 $0x60000, s1;
	[dreg:$0x8] =	wrdreg s15  }
0xc: {  	s5 =	sshll.u32 s4, $0xA;
	s7 =	sshrl.u32 s6, $0x1;
	s4 =	smul.u32 $0x300000, s4  }
0xd: {  	s5 =	sadd.s32 s5, s0;
	s0 =	sadd.s32 $0x8A00, s0;
	s8 =	ssub.s32 s6, s7  }
0xe: {  	s6 =	sadd.s32 $0x200, s2;
	s7 =	sadd.s32 $0x300, s2;
	s5 =	sadd.s32 $0xA00, s5  }
0xf: {  	s4 =	sshrl.u32 s4, $0x3;
	s26 =	smax.u32 s8, $0x1;
	s8 =	simm.s32 $0xB000  }
0x10: {  	[dreg:$0x4] =	wrdreg s5;
	s5 =	sadd.s32 $0x100, s2;
	s4 =	sadd.s32 s0, s4  }
0x11: {  	s0 =	sadd.s32 s23, s0;
	[dreg:$0x7] =	wrdreg s26;
	s24 =	sadd.s32 $0x5D000, s4  }
0x12: {  	s23 =	simm.s32 $0x6000;
	s25 =	sadd.s32 $0x5E800, s4;
	[dreg:$0x5] =	wrdreg s24  }
0x13: {  	v2 =	vlaneseq.u32;
	s26 =	simm.s32 $0x7800;
	s0 =	sadd.s32 s1, s0;
	[dreg:$0x6] =	wrdreg s25  }
0x14: {  	vm0 =	vmmov $0xffff;
	v1 =	vshrl.u32 v2, $0x3;
	s4 =	simm.s32 $0xA800;
	s1 =	simm.s32 $0xE000;
	[dreg:$0x3] =	wrdreg s0  }
0x15: {  	v0 =	vand.u32 $0x7, v2;
	v2 =	vor.u32 $0x8, v2;
	v1 =	vmul.u32 $0x8, v1;
	s24 =	simm.s32 $0x6800;
	s25 =	simm.s32 $0x7000;
	s0 =	simm.s32 $0xA000  }
.LBB2_1:
0x16: {  	s15 =	rddreg [dreg:$0x4]  }
0x17: {  	[tilespmem:s3], [sflag:$0x5] =	stream.linear.gather [hbm4b:s15+s3], $0x2000, $0x38;
	[tilespmem:$0x1A000] =	vst v63  }
0x18: {  	s15 =	simm.s32 $0x5  }
0x19: {  	_ =	swait.ge [sflag:s15], $0x2000  }
0x1a: {  	[sflag:s15] =	ssyncset.done $0x0  }
0x1b: {  	[sflag:s15] =	ssyncadd.s32 $0xFFFFE000  }
0x1c: {  	v3 =	vld [tilespmem:$0x0];
	_ =	sdelay $0x4  }
0x1d: {  	v4 =	vshll.u32 v3, $0x3  }
0x1e: {  	v3 =	vand.u32 $0x7, v3;
	v4 =	vand.u32 $0xFFFFFFC0, v4  }
0x1f: {  	v3 =	vor.u32 v3, v4  }
0x20: {  	v4 =	vperm.xlane v3, v0;
	_ =	sdelay $0x1  }
0x21: {  	v4 =	vadd.s32 v1, v4;
	_ =	sdelay $0x4  }
0x22: {  	[tilespmem:s10], [sflag:$0x1] =	stream.indirect_vreg.gather [hbm4b:s2+s3], $0x80, v4, vm0, $0xb8;
	[tilespmem:$0x1A000] =	vst v63  }
0x23: {  	v3 =	vperm.xlane v3, v2  }
0x24: {  	[tilespmem:s17], [sflag:$0x1] =	stream.indirect_vreg.gather [hbm4b:s5+s3], $0x80, v4, vm0, $0xb8;
	[tilespmem:$0x1A000] =	vst v63  }
0x25: {  	v3 =	vadd.s32 v1, v3  }
0x26: {  	[tilespmem:s16], [sflag:$0x1] =	stream.indirect_vreg.gather [hbm4b:s6+s3], $0x80, v4, vm0, $0xb8;
	[tilespmem:$0x1A000] =	vst v63  }
0x27: {  	_ = 	snop  }
0x28: {  	[tilespmem:s18], [sflag:$0x1] =	stream.indirect_vreg.gather [hbm4b:s7+s3], $0x80, v4, vm0, $0xb8;
	[tilespmem:$0x1A000] =	vst v63  }
0x29: {  	_ = 	snop  }
0x2a: {  	[tilespmem:s19], [sflag:$0x1] =	stream.indirect_vreg.gather [hbm4b:s2+s3], $0x80, v3, vm0, $0xb8;
	[tilespmem:$0x1A000] =	vst v63  }
0x2b: {  	_ = 	snop  }
0x2c: {  	[tilespmem:s20], [sflag:$0x1] =	stream.indirect_vreg.gather [hbm4b:s5+s3], $0x80, v3, vm0, $0xb8;
	[tilespmem:$0x1A000] =	vst v63  }
0x2d: {  	_ = 	snop  }
0x2e: {  	[tilespmem:s21], [sflag:$0x1] =	stream.indirect_vreg.gather [hbm4b:s6+s3], $0x80, v3, vm0, $0xb8;
	[tilespmem:$0x1A000] =	vst v63  }
0x2f: {  	_ = 	snop  }
0x30: {  	[tilespmem:s22], [sflag:$0x1] =	stream.indirect_vreg.gather [hbm4b:s7+s3], $0x80, v3, vm0, $0xb8;
	[tilespmem:$0x1A000] =	vst v63  }
0x31: {  	v3 =	vld [tilespmem:$0x10];
	_ =	sdelay $0x4  }
0x32: {  	v59 =	vshll.u32 v3, $0x3  }
0x33: {  	v3 =	vand.u32 $0x7, v3;
	v4 =	vand.u32 $0xFFFFFFC0, v59  }
0x34: {  	v3 =	vor.u32 v3, v4  }
0x35: {  	v4 =	vperm.xlane v3, v0;
	_ =	sdelay $0x1  }
0x36: {  	v4 =	vadd.s32 v1, v4;
	_ =	sdelay $0x4  }
0x37: {  	[tilespmem:s23], [sflag:$0x1] =	stream.indirect_vreg.gather [hbm4b:s2+s3], $0x80, v4, vm0, $0xb8;
	[tilespmem:$0x1A000] =	vst v63  }
0x38: {  	v3 =	vperm.xlane v3, v2  }
0x39: {  	[tilespmem:s24], [sflag:$0x1] =	stream.indirect_vreg.gather [hbm4b:s5+s3], $0x80, v4, vm0, $0xb8;
	[tilespmem:$0x1A000] =	vst v63  }
0x3a: {  	v3 =	vadd.s32 v1, v3  }
0x3b: {  	[tilespmem:s25], [sflag:$0x1] =	stream.indirect_vreg.gather [hbm4b:s6+s3], $0x80, v4, vm0, $0xb8;
	[tilespmem:$0x1A000] =	vst v63  }
0x3c: {  	_ = 	snop  }
0x3d: {  	[tilespmem:s26], [sflag:$0x1] =	stream.indirect_vreg.gather [hbm4b:s7+s3], $0x80, v4, vm0, $0xb8;
	[tilespmem:$0x1A000] =	vst v63  }
0x3e: {  	_ = 	snop  }
0x3f: {  	[tilespmem:s28], [sflag:$0x1] =	stream.indirect_vreg.gather [hbm4b:s2+s3], $0x80, v3, vm0, $0xb8;
	[tilespmem:$0x1A000] =	vst v63  }
0x40: {  	_ = 	snop  }
0x41: {  	[tilespmem:s29], [sflag:$0x1] =	stream.indirect_vreg.gather [hbm4b:s5+s3], $0x80, v3, vm0, $0xb8;
	[tilespmem:$0x1A000] =	vst v63  }
0x42: {  	_ = 	snop  }
0x43: {  	[tilespmem:s30], [sflag:$0x1] =	stream.indirect_vreg.gather [hbm4b:s6+s3], $0x80, v3, vm0, $0xb8;
	[tilespmem:$0x1A000] =	vst v63  }
0x44: {  	_ = 	snop  }
0x45: {  	[tilespmem:s31], [sflag:$0x1] =	stream.indirect_vreg.gather [hbm4b:s7+s3], $0x80, v3, vm0, $0xb8;
	[tilespmem:$0x1A000] =	vst v63  }
0x46: {  	v3 =	vld [tilespmem:$0x20];
	_ =	sdelay $0x4  }
0x47: {  	v60 =	vshll.u32 v3, $0x3  }
0x48: {  	v3 =	vand.u32 $0x7, v3;
	v4 =	vand.u32 $0xFFFFFFC0, v60  }
0x49: {  	v3 =	vor.u32 v3, v4  }
0x4a: {  	v4 =	vperm.xlane v3, v0;
	_ =	sdelay $0x1  }
0x4b: {  	v4 =	vadd.s32 v1, v4;
	_ =	sdelay $0x4  }
0x4c: {  	[tilespmem:s0], [sflag:$0x1] =	stream.indirect_vreg.gather [hbm4b:s2+s3], $0x80, v4, vm0, $0xb8;
	[tilespmem:$0x1A000] =	vst v63  }
0x4d: {  	v3 =	vperm.xlane v3, v2  }
0x4e: {  	[tilespmem:s4], [sflag:$0x1] =	stream.indirect_vreg.gather [hbm4b:s5+s3], $0x80, v4, vm0, $0xb8;
	[tilespmem:$0x1A000] =	vst v63  }
0x4f: {  	v3 =	vadd.s32 v1, v3  }
0x50: {  	[tilespmem:s8], [sflag:$0x1] =	stream.indirect_vreg.gather [hbm4b:s6+s3], $0x80, v4, vm0, $0xb8;
	[tilespmem:$0x1A000] =	vst v63  }
0x51: {  	_ = 	snop  }
0x52: {  	[tilespmem:s12], [sflag:$0x1] =	stream.indirect_vreg.gather [hbm4b:s7+s3], $0x80, v4, vm0, $0xb8;
	[tilespmem:$0x1A000] =	vst v63  }
0x53: {  	s20 =	simm.s32 $0xC000  }
0x54: {  	[tilespmem:s20], [sflag:$0x1] =	stream.indirect_vreg.gather [hbm4b:s2+s3], $0x80, v3, vm0, $0xb8;
	[tilespmem:$0x1A000] =	vst v63  }
0x55: {  	s21 =	simm.s32 $0xC800  }
0x56: {  	[tilespmem:s21], [sflag:$0x1] =	stream.indirect_vreg.gather [hbm4b:s5+s3], $0x80, v3, vm0, $0xb8;
	[tilespmem:$0x1A000] =	vst v63  }
0x57: {  	s22 =	simm.s32 $0xD000  }
0x58: {  	[tilespmem:s22], [sflag:$0x1] =	stream.indirect_vreg.gather [hbm4b:s6+s3], $0x80, v3, vm0, $0xb8;
	[tilespmem:$0x1A000] =	vst v63  }
0x59: {  	s23 =	simm.s32 $0xD800  }
0x5a: {  	[tilespmem:s23], [sflag:$0x1] =	stream.indirect_vreg.gather [hbm4b:s7+s3], $0x80, v3, vm0, $0xb8;
	[tilespmem:$0x1A000] =	vst v63  }
0x5b: {  	v3 =	vld [tilespmem:$0x80];
	_ =	sdelay $0x4  }
0x5c: {  	v61 =	vshll.u32 v3, $0x3  }
0x5d: {  	v3 =	vand.u32 $0x7, v3;
	v4 =	vand.u32 $0xFFFFFFC0, v61  }
0x5e: {  	v3 =	vor.u32 v3, v4  }
0x5f: {  	v4 =	vperm.xlane v3, v0;
	_ =	sdelay $0x1  }
0x60: {  	v4 =	vadd.s32 v1, v4;
	_ =	sdelay $0x4  }
0x61: {  	[tilespmem:s1], [sflag:$0x2] =	stream.indirect_vreg.gather [hbm4b:s2+s3], $0x80, v4, vm0, $0xb8;
	[tilespmem:$0x1A000] =	vst v63  }
0x62: {  	s24 =	simm.s32 $0xE800;
	v3 =	vperm.xlane v3, v2  }
0x63: {  	[tilespmem:s24], [sflag:$0x2] =	stream.indirect_vreg.gather [hbm4b:s5+s3], $0x80, v4, vm0, $0xb8;
	[tilespmem:$0x1A000] =	vst v63  }
0x64: {  	s25 =	simm.s32 $0xF000;
	v3 =	vadd.s32 v1, v3  }
0x65: {  	[tilespmem:s25], [sflag:$0x2] =	stream.indirect_vreg.gather [hbm4b:s6+s3], $0x80, v4, vm0, $0xb8;
	[tilespmem:$0x1A000] =	vst v63  }
0x66: {  	s26 =	simm.s32 $0xF800  }
0x67: {  	[tilespmem:s26], [sflag:$0x2] =	stream.indirect_vreg.gather [hbm4b:s7+s3], $0x80, v4, vm0, $0xb8;
	[tilespmem:$0x1A000] =	vst v63  }
0x68: {  	s1 =	simm.s32 $0x10000  }
0x69: {  	[tilespmem:s1], [sflag:$0x2] =	stream.indirect_vreg.gather [hbm4b:s2+s3], $0x80, v3, vm0, $0xb8;
	[tilespmem:$0x1A000] =	vst v63  }
0x6a: {  	s4 =	simm.s32 $0x10800  }
0x6b: {  	[tilespmem:s4], [sflag:$0x2] =	stream.indirect_vreg.gather [hbm4b:s5+s3], $0x80, v3, vm0, $0xb8;
	[tilespmem:$0x1A000] =	vst v63  }
0x6c: {  	s8 =	simm.s32 $0x11000  }
0x6d: {  	[tilespmem:s8], [sflag:$0x2] =	stream.indirect_vreg.gather [hbm4b:s6+s3], $0x80, v3, vm0, $0xb8;
	[tilespmem:$0x1A000] =	vst v63  }
0x6e: {  	s10 =	simm.s32 $0x11800  }
0x6f: {  	[tilespmem:s10], [sflag:$0x2] =	stream.indirect_vreg.gather [hbm4b:s7+s3], $0x80, v3, vm0, $0xb8;
	[tilespmem:$0x1A000] =	vst v63  }
0x70: {  	v3 =	vld [tilespmem:$0x90];
	_ =	sdelay $0x4  }
0x71: {  	v62 =	vshll.u32 v3, $0x3  }
0x72: {  	v3 =	vand.u32 $0x7, v3;
	v4 =	vand.u32 $0xFFFFFFC0, v62  }
0x73: {  	v3 =	vor.u32 v3, v4  }
0x74: {  	v4 =	vperm.xlane v3, v0;
	_ =	sdelay $0x1  }
0x75: {  	v4 =	vadd.s32 v1, v4;
	_ =	sdelay $0x3  }
0x76: {  	s12 =	simm.s32 $0x12000  }
0x77: {  	[tilespmem:s12], [sflag:$0x2] =	stream.indirect_vreg.gather [hbm4b:s2+s3], $0x80, v4, vm0, $0xb8;
	[tilespmem:$0x1A000] =	vst v63  }
0x78: {  	s15 =	simm.s32 $0x12800;
	v3 =	vperm.xlane v3, v2  }
0x79: {  	[tilespmem:s15], [sflag:$0x2] =	stream.indirect_vreg.gather [hbm4b:s5+s3], $0x80, v4, vm0, $0xb8;
	[tilespmem:$0x1A000] =	vst v63  }
0x7a: {  	s16 =	simm.s32 $0x13000;
	v3 =	vadd.s32 v1, v3  }
0x7b: {  	[tilespmem:s16], [sflag:$0x2] =	stream.indirect_vreg.gather [hbm4b:s6+s3], $0x80, v4, vm0, $0xb8;
	[tilespmem:$0x1A000] =	vst v63  }
0x7c: {  	s17 =	simm.s32 $0x13800  }
0x7d: {  	[tilespmem:s17], [sflag:$0x2] =	stream.indirect_vreg.gather [hbm4b:s7+s3], $0x80, v4, vm0, $0xb8;
	[tilespmem:$0x1A000] =	vst v63  }
0x7e: {  	s18 =	simm.s32 $0x14000  }
0x7f: {  	[tilespmem:s18], [sflag:$0x2] =	stream.indirect_vreg.gather [hbm4b:s2+s3], $0x80, v3, vm0, $0xb8;
	[tilespmem:$0x1A000] =	vst v63  }
0x80: {  	s19 =	simm.s32 $0x14800  }
0x81: {  	[tilespmem:s19], [sflag:$0x2] =	stream.indirect_vreg.gather [hbm4b:s5+s3], $0x80, v3, vm0, $0xb8;
	[tilespmem:$0x1A000] =	vst v63  }
0x82: {  	s20 =	simm.s32 $0x15000  }
0x83: {  	[tilespmem:s20], [sflag:$0x2] =	stream.indirect_vreg.gather [hbm4b:s6+s3], $0x80, v3, vm0, $0xb8;
	[tilespmem:$0x1A000] =	vst v63  }
0x84: {  	s21 =	simm.s32 $0x15800  }
0x85: {  	[tilespmem:s21], [sflag:$0x2] =	stream.indirect_vreg.gather [hbm4b:s7+s3], $0x80, v3, vm0, $0xb8;
	[tilespmem:$0x1A000] =	vst v63  }
0x86: {  	v3 =	vld [tilespmem:$0xA0];
	_ =	sdelay $0x4  }
0x87: {  	v63 =	vshll.u32 v3, $0x3  }
0x88: {  	v3 =	vand.u32 $0x7, v3;
	v4 =	vand.u32 $0xFFFFFFC0, v63  }
0x89: {  	v3 =	vor.u32 v3, v4  }
0x8a: {  	v4 =	vperm.xlane v3, v0;
	_ =	sdelay $0x1  }
0x8b: {  	v4 =	vadd.s32 v1, v4;
	_ =	sdelay $0x3  }
0x8c: {  	s28 =	simm.s32 $0x7800;
	s22 =	simm.s32 $0x16000  }
0x8d: {  	[tilespmem:s22], [sflag:$0x2] =	stream.indirect_vreg.gather [hbm4b:s2+s3], $0x80, v4, vm0, $0xb8;
	[tilespmem:$0x1A000] =	vst v63  }
0x8e: {  	s29 =	simm.s32 $0x8000;
	s30 =	simm.s32 $0x8800;
	s23 =	simm.s32 $0x16800;
	v3 =	vperm.xlane v3, v2  }
0x8f: {  	[tilespmem:s23], [sflag:$0x2] =	stream.indirect_vreg.gather [hbm4b:s5+s3], $0x80, v4, vm0, $0xb8;
	[tilespmem:$0x1A000] =	vst v63  }
0x90: {  	s31 =	simm.s32 $0x9000;
	s0 =	simm.s32 $0xA000;
	s24 =	simm.s32 $0x17000;
	v3 =	vadd.s32 v1, v3  }
0x91: {  	[tilespmem:s24], [sflag:$0x2] =	stream.indirect_vreg.gather [hbm4b:s6+s3], $0x80, v4, vm0, $0xb8;
	[tilespmem:$0x1A000] =	vst v63  }
0x92: {  	s25 =	simm.s32 $0x17800;
	s26 =	simm.s32 $0x18000;
	s4 =	simm.s32 $0xA800  }
0x93: {  	[tilespmem:s25], [sflag:$0x2] =	stream.indirect_vreg.gather [hbm4b:s7+s3], $0x80, v4, vm0, $0xb8;
	[tilespmem:$0x1A000] =	vst v63  }
0x94: {  	s8 =	simm.s32 $0xB000;
	s12 =	simm.s32 $0xB800;
	s15 =	simm.s32 $0x1A0  }
0x95: {  	[tilespmem:s26], [sflag:$0x2] =	stream.indirect_vreg.gather [hbm4b:s2+s3], $0x80, v3, vm0, $0xb8;
	[tilespmem:$0x1A000] =	vst v63  }
0x96: {  	s16 =	simm.s32 $0x0;
	s18 =	simm.s32 $0x3000;
	s21 =	simm.s32 $0x18800  }
0x97: {  	[tilespmem:s21], [sflag:$0x2] =	stream.indirect_vreg.gather [hbm4b:s5+s3], $0x80, v3, vm0, $0xb8;
	[tilespmem:$0x1A000] =	vst v63  }
0x98: {  	s20 =	simm.s32 $0x4000;
	s22 =	simm.s32 $0x5000;
	s23 =	simm.s32 $0x19000  }
0x99: {  	[tilespmem:s23], [sflag:$0x2] =	stream.indirect_vreg.gather [hbm4b:s6+s3], $0x80, v3, vm0, $0xb8;
	[tilespmem:$0x1A000] =	vst v63  }
0x9a: {  	s24 =	simm.s32 $0x6000;
	s25 =	simm.s32 $0x19800;
	s26 =	simm.s32 $0x7000  }
0x9b: {  	[tilespmem:s25], [sflag:$0x2] =	stream.indirect_vreg.gather [hbm4b:s7+s3], $0x80, v3, vm0, $0xb8;
	[tilespmem:$0x1A000] =	vst v63  }
.LBB2_2:
0x9c: {  	_ =	swait.ge [sflag:s9], $0xC000  }
0x9d: {  	s17 =	rddreg [dreg:$0x3];
	[sflag:s9] =	ssyncset.done $0x0  }
0x9e: {  	s1 =	simm.s32 $0x2000;
	[sflag:s9] =	ssyncadd.s32 $0xFFFF4000;
	s17 =	sadd.s32 s16, s17  }
0x9f: {  	[hbm4b:s17+s3] =	stream.linear.scatter [tilespmem:s1], [sflag:$0x3], $0xC000, $0x38;
	[tilespmem:$0x1A000] =	vst v63  }
0xa0: {  	_ =	swait.ge [sflag:s11], $0xC000  }
0xa1: {  	[sflag:s11] =	ssyncset.done $0x0  }
0xa2: {  	s19 =	simm.s32 $0xE000;
	s17 =	sadd.s32 $0x1800, s17;
	[sflag:s11] =	ssyncadd.s32 $0xFFFF4000  }
0xa3: {  	[hbm4b:s17+s3] =	stream.linear.scatter [tilespmem:s19], [sflag:$0x4], $0xC000, $0x38;
	[tilespmem:$0x1A000] =	vst v63  }
0xa4: {  	_ =	swait.ge [sflag:s13], $0xC000  }
0xa5: {  	[sflag:s13] =	ssyncset.done $0x0  }
0xa6: {  	[sflag:s13] =	ssyncadd.s32 $0xFFFF4000  }
0xa7: {  	v3 =	vld [tilespmem:s15+$0xFFFFFF60];
	_ =	sdelay $0x4  }
0xa8: {  	v4 =	vshll.u32 v3, $0x3  }
0xa9: {  	v3 =	vand.u32 $0x7, v3;
	v4 =	vand.u32 $0xFFFFFFC0, v4  }
0xaa: {  	v3 =	vor.u32 v3, v4  }
0xab: {  	v4 =	vperm.xlane v3, v0;
	_ =	sdelay $0x1  }
0xac: {  	v4 =	vadd.s32 v1, v4;
	_ =	sdelay $0x4  }
0xad: {  	[tilespmem:s1], [sflag:$0x1] =	stream.indirect_vreg.gather [hbm4b:s2+s3], $0x80, v4, vm0, $0xb8;
	[tilespmem:$0x1A000] =	vst v63  }
0xae: {  	s17 =	simm.s32 $0x2800;
	v3 =	vperm.xlane v3, v2  }
0xaf: {  	[tilespmem:s17], [sflag:$0x1] =	stream.indirect_vreg.gather [hbm4b:s5+s3], $0x80, v4, vm0, $0xb8;
	[tilespmem:$0x1A000] =	vst v63  }
0xb0: {  	v3 =	vadd.s32 v1, v3  }
0xb1: {  	[tilespmem:s18], [sflag:$0x1] =	stream.indirect_vreg.gather [hbm4b:s6+s3], $0x80, v4, vm0, $0xb8;
	[tilespmem:$0x1A000] =	vst v63  }
0xb2: {  	s1 =	simm.s32 $0x3800  }
0xb3: {  	[tilespmem:s1], [sflag:$0x1] =	stream.indirect_vreg.gather [hbm4b:s7+s3], $0x80, v4, vm0, $0xb8;
	[tilespmem:$0x1A000] =	vst v63  }
0xb4: {  	_ = 	snop  }
0xb5: {  	[tilespmem:s20], [sflag:$0x1] =	stream.indirect_vreg.gather [hbm4b:s2+s3], $0x80, v3, vm0, $0xb8;
	[tilespmem:$0x1A000] =	vst v63  }
0xb6: {  	s1 =	simm.s32 $0x4800  }
0xb7: {  	[tilespmem:s1], [sflag:$0x1] =	stream.indirect_vreg.gather [hbm4b:s5+s3], $0x80, v3, vm0, $0xb8;
	[tilespmem:$0x1A000] =	vst v63  }
0xb8: {  	_ = 	snop  }
0xb9: {  	[tilespmem:s22], [sflag:$0x1] =	stream.indirect_vreg.gather [hbm4b:s6+s3], $0x80, v3, vm0, $0xb8;
	[tilespmem:$0x1A000] =	vst v63  }
0xba: {  	s1 =	simm.s32 $0x5800  }
0xbb: {  	[tilespmem:s1], [sflag:$0x1] =	stream.indirect_vreg.gather [hbm4b:s7+s3], $0x80, v3, vm0, $0xb8;
	[tilespmem:$0x1A000] =	vst v63  }
0xbc: {  	v3 =	vld [tilespmem:s15+$0xFFFFFF70];
	_ =	sdelay $0x4  }
0xbd: {  	v59 =	vshll.u32 v3, $0x3  }
0xbe: {  	v3 =	vand.u32 $0x7, v3;
	v4 =	vand.u32 $0xFFFFFFC0, v59  }
0xbf: {  	v3 =	vor.u32 v3, v4  }
0xc0: {  	v4 =	vperm.xlane v3, v0;
	_ =	sdelay $0x1  }
0xc1: {  	v4 =	vadd.s32 v1, v4;
	_ =	sdelay $0x4  }
0xc2: {  	[tilespmem:s24], [sflag:$0x1] =	stream.indirect_vreg.gather [hbm4b:s2+s3], $0x80, v4, vm0, $0xb8;
	[tilespmem:$0x1A000] =	vst v63  }
0xc3: {  	s1 =	simm.s32 $0x6800;
	v3 =	vperm.xlane v3, v2  }
0xc4: {  	[tilespmem:s1], [sflag:$0x1] =	stream.indirect_vreg.gather [hbm4b:s5+s3], $0x80, v4, vm0, $0xb8;
	[tilespmem:$0x1A000] =	vst v63  }
0xc5: {  	v3 =	vadd.s32 v1, v3  }
0xc6: {  	[tilespmem:s26], [sflag:$0x1] =	stream.indirect_vreg.gather [hbm4b:s6+s3], $0x80, v4, vm0, $0xb8;
	[tilespmem:$0x1A000] =	vst v63  }
0xc7: {  	_ = 	snop  }
0xc8: {  	[tilespmem:s28], [sflag:$0x1] =	stream.indirect_vreg.gather [hbm4b:s7+s3], $0x80, v4, vm0, $0xb8;
	[tilespmem:$0x1A000] =	vst v63  }
0xc9: {  	_ = 	snop  }
0xca: {  	[tilespmem:s29], [sflag:$0x1] =	stream.indirect_vreg.gather [hbm4b:s2+s3], $0x80, v3, vm0, $0xb8;
	[tilespmem:$0x1A000] =	vst v63  }
0xcb: {  	_ = 	snop  }
0xcc: {  	[tilespmem:s30], [sflag:$0x1] =	stream.indirect_vreg.gather [hbm4b:s5+s3], $0x80, v3, vm0, $0xb8;
	[tilespmem:$0x1A000] =	vst v63  }
0xcd: {  	_ = 	snop  }
0xce: {  	[tilespmem:s31], [sflag:$0x1] =	stream.indirect_vreg.gather [hbm4b:s6+s3], $0x80, v3, vm0, $0xb8;
	[tilespmem:$0x1A000] =	vst v63  }
0xcf: {  	s1 =	simm.s32 $0x9800  }
0xd0: {  	[tilespmem:s1], [sflag:$0x1] =	stream.indirect_vreg.gather [hbm4b:s7+s3], $0x80, v3, vm0, $0xb8;
	[tilespmem:$0x1A000] =	vst v63  }
0xd1: {  	v3 =	vld [tilespmem:s15+$0xFFFFFF80];
	_ =	sdelay $0x4  }
0xd2: {  	v60 =	vshll.u32 v3, $0x3  }
0xd3: {  	v3 =	vand.u32 $0x7, v3;
	v4 =	vand.u32 $0xFFFFFFC0, v60  }
0xd4: {  	v3 =	vor.u32 v3, v4  }
0xd5: {  	v4 =	vperm.xlane v3, v0;
	_ =	sdelay $0x1  }
0xd6: {  	v4 =	vadd.s32 v1, v4;
	_ =	sdelay $0x4  }
0xd7: {  	[tilespmem:s0], [sflag:$0x1] =	stream.indirect_vreg.gather [hbm4b:s2+s3], $0x80, v4, vm0, $0xb8;
	[tilespmem:$0x1A000] =	vst v63  }
0xd8: {  	v3 =	vperm.xlane v3, v2  }
0xd9: {  	[tilespmem:s4], [sflag:$0x1] =	stream.indirect_vreg.gather [hbm4b:s5+s3], $0x80, v4, vm0, $0xb8;
	[tilespmem:$0x1A000] =	vst v63  }
0xda: {  	v3 =	vadd.s32 v1, v3  }
0xdb: {  	[tilespmem:s8], [sflag:$0x1] =	stream.indirect_vreg.gather [hbm4b:s6+s3], $0x80, v4, vm0, $0xb8;
	[tilespmem:$0x1A000] =	vst v63  }
0xdc: {  	_ = 	snop  }
0xdd: {  	[tilespmem:s12], [sflag:$0x1] =	stream.indirect_vreg.gather [hbm4b:s7+s3], $0x80, v4, vm0, $0xb8;
	[tilespmem:$0x1A000] =	vst v63  }
0xde: {  	s1 =	simm.s32 $0xC000  }
0xdf: {  	[tilespmem:s1], [sflag:$0x1] =	stream.indirect_vreg.gather [hbm4b:s2+s3], $0x80, v3, vm0, $0xb8;
	[tilespmem:$0x1A000] =	vst v63  }
0xe0: {  	s1 =	simm.s32 $0xC800  }
0xe1: {  	[tilespmem:s1], [sflag:$0x1] =	stream.indirect_vreg.gather [hbm4b:s5+s3], $0x80, v3, vm0, $0xb8;
	[tilespmem:$0x1A000] =	vst v63  }
0xe2: {  	s1 =	simm.s32 $0xD000  }
0xe3: {  	[tilespmem:s1], [sflag:$0x1] =	stream.indirect_vreg.gather [hbm4b:s6+s3], $0x80, v3, vm0, $0xb8;
	[tilespmem:$0x1A000] =	vst v63  }
0xe4: {  	s1 =	simm.s32 $0xD800  }
0xe5: {  	[tilespmem:s1], [sflag:$0x1] =	stream.indirect_vreg.gather [hbm4b:s7+s3], $0x80, v3, vm0, $0xb8;
	[tilespmem:$0x1A000] =	vst v63  }
0xe6: {  	_ =	swait.ge [sflag:s14], $0xC000  }
0xe7: {  	[sflag:s14] =	ssyncset.done $0x0  }
0xe8: {  	[sflag:s14] =	ssyncadd.s32 $0xFFFF4000  }
0xe9: {  	v3 =	vld [tilespmem:s15+$0xFFFFFFE0];
	_ =	sdelay $0x4  }
0xea: {  	v61 =	vshll.u32 v3, $0x3  }
0xeb: {  	v3 =	vand.u32 $0x7, v3;
	v4 =	vand.u32 $0xFFFFFFC0, v61  }
0xec: {  	v3 =	vor.u32 v3, v4  }
0xed: {  	v4 =	vperm.xlane v3, v0;
	_ =	sdelay $0x1  }
0xee: {  	v4 =	vadd.s32 v1, v4;
	_ =	sdelay $0x4  }
0xef: {  	[tilespmem:s19], [sflag:$0x2] =	stream.indirect_vreg.gather [hbm4b:s2+s3], $0x80, v4, vm0, $0xb8;
	[tilespmem:$0x1A000] =	vst v63  }
0xf0: {  	v3 =	vperm.xlane v3, v2;
	s19 =	simm.s32 $0xE800  }
0xf1: {  	[tilespmem:s19], [sflag:$0x2] =	stream.indirect_vreg.gather [hbm4b:s5+s3], $0x80, v4, vm0, $0xb8;
	[tilespmem:$0x1A000] =	vst v63  }
0xf2: {  	v3 =	vadd.s32 v1, v3;
	s19 =	simm.s32 $0xF000  }
0xf3: {  	[tilespmem:s19], [sflag:$0x2] =	stream.indirect_vreg.gather [hbm4b:s6+s3], $0x80, v4, vm0, $0xb8;
	[tilespmem:$0x1A000] =	vst v63  }
0xf4: {  	s19 =	simm.s32 $0xF800  }
0xf5: {  	[tilespmem:s19], [sflag:$0x2] =	stream.indirect_vreg.gather [hbm4b:s7+s3], $0x80, v4, vm0, $0xb8;
	[tilespmem:$0x1A000] =	vst v63  }
0xf6: {  	s19 =	simm.s32 $0x10000  }
0xf7: {  	[tilespmem:s19], [sflag:$0x2] =	stream.indirect_vreg.gather [hbm4b:s2+s3], $0x80, v3, vm0, $0xb8;
	[tilespmem:$0x1A000] =	vst v63  }
0xf8: {  	s19 =	simm.s32 $0x10800  }
0xf9: {  	[tilespmem:s19], [sflag:$0x2] =	stream.indirect_vreg.gather [hbm4b:s5+s3], $0x80, v3, vm0, $0xb8;
	[tilespmem:$0x1A000] =	vst v63  }
0xfa: {  	s19 =	simm.s32 $0x11000  }
0xfb: {  	[tilespmem:s19], [sflag:$0x2] =	stream.indirect_vreg.gather [hbm4b:s6+s3], $0x80, v3, vm0, $0xb8;
	[tilespmem:$0x1A000] =	vst v63  }
0xfc: {  	s19 =	simm.s32 $0x11800  }
0xfd: {  	[tilespmem:s19], [sflag:$0x2] =	stream.indirect_vreg.gather [hbm4b:s7+s3], $0x80, v3, vm0, $0xb8;
	[tilespmem:$0x1A000] =	vst v63  }
0xfe: {  	v3 =	vld [tilespmem:s15+$0xFFFFFFF0];
	_ =	sdelay $0x4  }
0xff: {  	v62 =	vshll.u32 v3, $0x3  }
0x100: {  	v3 =	vand.u32 $0x7, v3;
	v4 =	vand.u32 $0xFFFFFFC0, v62  }
0x101: {  	v3 =	vor.u32 v3, v4  }
0x102: {  	v4 =	vperm.xlane v3, v0;
	_ =	sdelay $0x1  }
0x103: {  	v4 =	vadd.s32 v1, v4;
	_ =	sdelay $0x3  }
0x104: {  	s19 =	simm.s32 $0x12000  }
0x105: {  	[tilespmem:s19], [sflag:$0x2] =	stream.indirect_vreg.gather [hbm4b:s2+s3], $0x80, v4, vm0, $0xb8;
	[tilespmem:$0x1A000] =	vst v63  }
0x106: {  	v3 =	vperm.xlane v3, v2;
	s19 =	simm.s32 $0x12800  }
0x107: {  	[tilespmem:s19], [sflag:$0x2] =	stream.indirect_vreg.gather [hbm4b:s5+s3], $0x80, v4, vm0, $0xb8;
	[tilespmem:$0x1A000] =	vst v63  }
0x108: {  	v3 =	vadd.s32 v1, v3;
	s19 =	simm.s32 $0x13000  }
0x109: {  	[tilespmem:s19], [sflag:$0x2] =	stream.indirect_vreg.gather [hbm4b:s6+s3], $0x80, v4, vm0, $0xb8;
	[tilespmem:$0x1A000] =	vst v63  }
0x10a: {  	s19 =	simm.s32 $0x13800  }
0x10b: {  	[tilespmem:s19], [sflag:$0x2] =	stream.indirect_vreg.gather [hbm4b:s7+s3], $0x80, v4, vm0, $0xb8;
	[tilespmem:$0x1A000] =	vst v63  }
0x10c: {  	s19 =	simm.s32 $0x14000  }
0x10d: {  	[tilespmem:s19], [sflag:$0x2] =	stream.indirect_vreg.gather [hbm4b:s2+s3], $0x80, v3, vm0, $0xb8;
	[tilespmem:$0x1A000] =	vst v63  }
0x10e: {  	s19 =	simm.s32 $0x14800  }
0x10f: {  	[tilespmem:s19], [sflag:$0x2] =	stream.indirect_vreg.gather [hbm4b:s5+s3], $0x80, v3, vm0, $0xb8;
	[tilespmem:$0x1A000] =	vst v63  }
0x110: {  	s19 =	simm.s32 $0x15000  }
0x111: {  	[tilespmem:s19], [sflag:$0x2] =	stream.indirect_vreg.gather [hbm4b:s6+s3], $0x80, v3, vm0, $0xb8;
	[tilespmem:$0x1A000] =	vst v63  }
0x112: {  	s19 =	simm.s32 $0x15800  }
0x113: {  	[tilespmem:s19], [sflag:$0x2] =	stream.indirect_vreg.gather [hbm4b:s7+s3], $0x80, v3, vm0, $0xb8;
	[tilespmem:$0x1A000] =	vst v63  }
0x114: {  	v3 =	vld [tilespmem:s15+$0x0];
	_ =	sdelay $0x4  }
0x115: {  	v63 =	vshll.u32 v3, $0x3  }
0x116: {  	v3 =	vand.u32 $0x7, v3;
	v4 =	vand.u32 $0xFFFFFFC0, v63  }
0x117: {  	v3 =	vor.u32 v3, v4  }
0x118: {  	v4 =	vperm.xlane v3, v0;
	_ =	sdelay $0x1  }
0x119: {  	v4 =	vadd.s32 v1, v4;
	_ =	sdelay $0x3  }
0x11a: {  	s19 =	simm.s32 $0x16000  }
0x11b: {  	[tilespmem:s19], [sflag:$0x2] =	stream.indirect_vreg.gather [hbm4b:s2+s3], $0x80, v4, vm0, $0xb8;
	[tilespmem:$0x1A000] =	vst v63  }
0x11c: {  	v3 =	vperm.xlane v3, v2;
	s19 =	simm.s32 $0x16800  }
0x11d: {  	[tilespmem:s19], [sflag:$0x2] =	stream.indirect_vreg.gather [hbm4b:s5+s3], $0x80, v4, vm0, $0xb8;
	[tilespmem:$0x1A000] =	vst v63  }
0x11e: {  	v3 =	vadd.s32 v1, v3;
	s19 =	simm.s32 $0x17000  }
0x11f: {  	[tilespmem:s19], [sflag:$0x2] =	stream.indirect_vreg.gather [hbm4b:s6+s3], $0x80, v4, vm0, $0xb8;
	[tilespmem:$0x1A000] =	vst v63  }
0x120: {  	s19 =	simm.s32 $0x17800  }
0x121: {  	[tilespmem:s19], [sflag:$0x2] =	stream.indirect_vreg.gather [hbm4b:s7+s3], $0x80, v4, vm0, $0xb8;
	[tilespmem:$0x1A000] =	vst v63  }
0x122: {  	s19 =	simm.s32 $0x18000  }
0x123: {  	[tilespmem:s19], [sflag:$0x2] =	stream.indirect_vreg.gather [hbm4b:s2+s3], $0x80, v3, vm0, $0xb8;
	[tilespmem:$0x1A000] =	vst v63  }
0x124: {  	p0 =	sne.s32 s16, $0x5A000  }
0x125: {  	[tilespmem:s21], [sflag:$0x2] =	stream.indirect_vreg.gather [hbm4b:s5+s3], $0x80, v3, vm0, $0xb8;
	[tilespmem:$0x1A000] =	vst v63  }
.Ltmp0:
0x126: {  	_ = 	snop;
	(pc) =	sbr.rel @p0 .LBB2_2-.Ltmp0, $4  }
0x127: {  	s10 =	simm.s32 $0x2000  }
0x128: {  	[tilespmem:s23], [sflag:$0x2] =	stream.indirect_vreg.gather [hbm4b:s6+s3], $0x80, v3, vm0, $0xb8;
	[tilespmem:$0x1A000] =	vst v63  }
0x129: {  	s16 =	sadd.s32 $0x3000, s16;
	s1 =	simm.s32 $0xE000;
	s15 =	sadd.s32 $0x100, s15  }
0x12a: {  	[tilespmem:s25], [sflag:$0x2] =	stream.indirect_vreg.gather [hbm4b:s7+s3], $0x80, v3, vm0, $0xb8;
	[tilespmem:$0x1A000] =	vst v63  }
0x12b: {  	_ =	swait.ge [sflag:s9], $0xC000  }
0x12c: {  	[sflag:s9] =	ssyncset.done $0x0  }
0x12d: {  	s15 =	rddreg [dreg:$0x5];
	[sflag:s9] =	ssyncadd.s32 $0xFFFF4000  }
0x12e: {  	[hbm4b:s15+s3] =	stream.linear.scatter [tilespmem:s10], [sflag:$0x3], $0xC000, $0x38;
	[tilespmem:$0x1A000] =	vst v63  }
0x12f: {  	_ =	swait.ge [sflag:s11], $0xC000  }
0x130: {  	[sflag:s11] =	ssyncset.done $0x0  }
0x131: {  	s25 =	rddreg [dreg:$0x6];
	[sflag:s11] =	ssyncadd.s32 $0xFFFF4000  }
0x132: {  	[hbm4b:s25+s3] =	stream.linear.scatter [tilespmem:s1], [sflag:$0x4], $0xC000, $0x38;
	[tilespmem:$0x1A000] =	vst v63  }
0x133: {  	_ =	swait.ge [sflag:s13], $0xC000  }
0x134: {  	[sflag:s13] =	ssyncset.done $0x0  }
0x135: {  	[sflag:s13] =	ssyncadd.s32 $0xFFFF4000  }
0x136: {  	s16 =	simm.s32 $0x3000;
	s18 =	simm.s32 $0x3800;
	_ =	swait.ge [sflag:s14], $0xC000  }
0x137: {  	s19 =	simm.s32 $0x4000;
	s20 =	simm.s32 $0x4800;
	s0 =	rddreg [dreg:$0x8]  }
0x138: {  	s21 =	simm.s32 $0x5000;
	s26 =	rddreg [dreg:$0x7];
	s0 =	sadd.s32 $0x1, s0  }
0x139: {  	s22 =	simm.s32 $0x5800;
	s23 =	simm.s32 $0x6000;
	p0 =	sne.s32 s0, s26  }
.Ltmp1:
0x13a: {  	s24 =	simm.s32 $0x6800;
	s28 =	simm.s32 $0x8000;
	(pc) =	sbr.rel @p0 .LBB2_1-.Ltmp1, $4  }
0x13b: {  	s29 =	simm.s32 $0x8800;
	s30 =	simm.s32 $0x9000;
	s31 =	simm.s32 $0x9800  }
0x13c: {  	s4 =	simm.s32 $0xA800;
	s8 =	simm.s32 $0xB000;
	[sflag:s14] =	ssyncset.done $0x0  }
0x13d: {  	s12 =	simm.s32 $0xB800;
	s25 =	simm.s32 $0x7000;
	[sflag:s14] =	ssyncadd.s32 $0xFFFF4000  }
0x13e: {  	[dreg:$0x8] =	wrdreg s0;
	s26 =	simm.s32 $0x7800;
	s0 =	simm.s32 $0xA000  }
0x13f: {  	_ =	sfence.sel $0x180000  }
0x140: {  	[bflag:$0x0] =	sbarrier.arrive $0xFFFF  }
0x141: {  	_ =	strace $0x90000047  }
0x142: {  	s0 =	stileid.u32;
	[bflag:$0x2] =	sbarrier.arrive $0xFFFF  }
0x143: {  	p0 =	sne.s32 s0, $0x0;
	s0 =	rddreg [dreg:$0x2]  }
0x144: {  	s0 =	sadd.s32 @!p0 $0x100000, s0  }
0x145: {  	[sflag:s0] =	ssyncadd.tile.s32 @!p0 $0x1;
	_ =	shalt  }
.Lfunc_end2:
_tile_overlayer_lowered:
.L_overlay_start_2:
0x146: {  	(tag) =	ssettag $0x2  }
0x147: {  	s0 =	rddreg [dreg:$0x0];
	s2 =	stileid.u32  }
0x148: {  	s1 =	rddreg [dreg:$0x1];
	p0 =	sne.s32 s2, $0x0  }
0x149: {  	s3 =	rddreg [dreg:$0x2];
	[bflag:$0x3] =	sbarrier.arrive $0xFFFF;
	s2 =	simm.s32 @!p0 $0x1C05  }
0x14a: {  	[timem:s3], [sflag:s2] =	dma.local @!p0 [hbm:s0], s1  }
0x14b: {  	s0 =	simm.s32 @!p0 $0x5  }
0x14c: {  	_ =	swait.ge @!p0 [sflag:s0], s1  }
0x14d: {  	s1 =	ssub.s32 @!p0 $0x0, s1;
	[sflag:s0] =	ssyncset.done @!p0 $0x0  }
0x14e: {  	[sflag:s0] =	ssyncadd.s32 @!p0 s1  }
0x14f: {  	[bflag:$0x3] =	sbarrier.arrive $0xFFFF  }
0x150: {  	_ =	shalt  }

// kernel: sparse-core-data-format-call.cloned.1.call-start
scs
called_computation_lowered:
.L_overlay_start_0:
0x0: {  	s2 =	sld [smem:$0x3FD9]  }
0x1: {  	s3 =	sld [smem:$0x3FFE];
	_ =	sdelay $0x1  }
0x2: {  	s1 =	srdreg.scid  }
0x3: {  	s0 =	sand.u32 $0x1, s1  }
0x4: {  	s18 =	sshll.u32 s0, $0xA;
	s2 =	sadd.s32 s3, s2  }
0x5: {  	s2 =	sadd.s32 s2, s18  }
0x6: {  	[smem:$0x3FC6] =	sst s2  }
0x7: {  	_ = 	snop  }
0x8: {  	s2 =	sld [smem:$0x3FD0];
	(tm) =	ssettm $0x1  }
0x9: {  	s19 =	sld [smem:$0x3FFB];
	_ =	sdelay $0x3  }
0xa: {  	_ =	strace s19  }
0xb: {  	s3 =	sld [smem:$0x3FFC];
	_ =	sdelay $0x3  }
0xc: {  	_ =	strace s3  }
0xd: {  	s3 =	sld [smem:$0x3FFD];
	_ =	sdelay $0x3  }
0xe: {  	_ =	strace s3  }
0xf: {  	_ =	strace $0x8FFFFFFF  }
0x10: {  	s20 =	sld [smem:$0x3FDB];
	_ =	sdelay $0x1  }
0x11: {  	s4 =	simm.s32 $_scs_section_size  }
0x12: {  	s5 =	simm.s32 $_size__tile_overlayer_lowered;
	s6 =	simm.s32 $_tile_overlayer_lowered  }
0x13: {  	s23 =	simm.s32 $0x1BFF;
	s22 =	sshll.u32 s6, $0x1;
	s3 =	sadd.s32 s4, s20  }
0x14: {  	s7 =	simm.s32 $0x0;
	s21 =	sshll.u32 s5, $0x1;
	s5 =	sadd.s32 s22, s3  }
0x15: {  	[timem:s7], [sflag:s23] =	dma.local [hbm:s5], s21  }
0x16: {  	_ =	swait.ge [sflag:s23], s21  }
0x17: {  	s4 =	ssub.s32 $0x0, s21;
	[sflag:s23] =	ssyncset.done $0x0  }
0x18: {  	[sflag:s23] =	ssyncadd.s32 s4;
	_ =	sdelay $0x1  }
0x19: {  	s24 =	simm.s32 $0x1B8B  }
0x1a: {  	_ =	swait.ge [sflag:s24], $0x1  }
0x1b: {  	[sflag:s24] =	ssyncset.done $0x0  }
0x1c: {  	s26 =	simm.s32 $0x1B8E;
	s25 =	sld [smem:$0x3FFE];
	[sflag:s24] =	ssyncadd.s32 $0xFFFFFFFF  }
0x1d: {  	s27 =	simm.s32 $execute0_lowered;
	[smem:$0x3FD2] =	sst s26  }
0x1e: {  	s5 =	sshll.u32 s27, $0x1;
	_ =	strace $0x80000049;
	[dreg:$0x1] =	wrdreg $0xFFFFFFFF  }
0x1f: {  	s28 =	simm.s32 $_size_execute0_lowered;
	s3 =	sadd.s32 s3, s5;
	[dreg:$0x0] =	wrdreg $0x0  }
0x20: {  	s5 =	sshll.u32 s28, $0x1;
	[dreg:$0x2] =	wrdreg s3  }
0x21: {  	[dreg:$0x3] =	wrdreg s5  }
0x22: {  	[dreg:$0x4] =	wrdreg $0xC0  }
0x23: {  	_ =	task [dreg:s7], $0x5FFFF  }
0x24: {  	[dreg:$0x1] =	wrdreg $0xFFFFFFFF  }
0x25: {  	[dreg:$0x0] =	wrdreg $0x60  }
0x26: {  	[dreg:$0x2] =	wrdreg s25  }
0x27: {  	[dreg:$0x3] =	wrdreg s2  }
0x28: {  	[dreg:$0x4] =	wrdreg $0x9  }
0x29: {  	_ =	task.clear_ibuf [dreg:s7], $0x5FFFF;
	_ =	strace $0x90000049  }
0x2a: {  	s29 =	simm.s32 $0x9;
	_ =	strace $0x8000004B  }
0x2b: {  	_ =	swait.ge [sflag:s29], $0x1  }
0x2c: {  	[sflag:s29] =	ssyncadd.s32 $0xFFFFFFFF  }
0x2d: {  	_ =	strace $0x9000004B  }
0x2e: {  	_ =	sfence  }
0x2f: {  	s30 =	sld [smem:$0x0];
	_ =	sdelay $0x2  }
0x30: {  	s31 =	sshll.u32 s1, $0xD;
	s1 =	sshrl.u32 s1, $0x2  }
0x31: {  	s3 =	sand.u32 $0x4000, s31;
	s1 =	sadd.s32 s1, s30  }
0x32: {  	s0 =	sor.u32 s3, s0;
	s1 =	sshll.u32 s1, $0x11  }
0x33: {  	s0 =	sor.u32 s1, s0  }
0x34: {  	s0 =	sadd.s32 $0x8F2B, s0  }
0x35: {  	[sflag:s0] =	ssyncadd.remote.s32 $0x1  }
0x36: {  	_ =	sfence.sel $0xFFFF  }
0x37: {  	[dreg:$0x0] =	wrdreg $0xFFFFFFFF;
	(pc) =	sbr.abs _section_cstart, $3  }
0x38: {  	[dreg:$0x1] =	wrdreg $0xFFFFFFFF  }
0x39: {  	_ =	task.clear_ibuf [dreg:s7], $0x2FFFF;
	_ =	strace $0x9FFFFFFF  }
0x3a: {  	(tm) =	ssettm $0x7FFFFFFF  }
0x3b: {  	_ =	shalt  }
tec
execute0_lowered:
.L_overlay_start_1:
0x0: {  	(tag) =	ssettag $0x1  }
0x1: {  	s0 =	srdreg.scid;
	s6 =	rddreg [dreg:$0x0]  }
0x2: {  	s3 =	rddreg [dreg:$0x1];
	s1 =	sshll.u32 s0, $0x4  }
0x3: {  	s5 =	simm.s32 $0x1;
	s0 =	stileid.u32;
	s1 =	sand.u32 $0x10, s1  }
0x4: {  	s31 =	simm.s32 $0x2;
	s16 =	simm.s32 $0x0;
	s1 =	sor.u32 s0, s1  }
0x5: {  	s8 =	simm.s32 $0x8000;
	s18 =	simm.s32 $0x0;
	s2 =	sshll.u32 s1, $0x7  }
0x6: {  	s17 =	simm.s32 $0x0;
	s9 =	simm.s32 $0x0;
	s4 =	ssub.s32 $0x1000, s2  }
0x7: {  	s10 =	simm.s32 $0x0;
	s11 =	simm.s32 $0x0;
	s30 =	sand.u32 $0xF80, s4  }
0x8: {  	s12 =	simm.s32 $0x0;
	s13 =	simm.s32 $0x0;
	p0 =	sne.s32 s30, $0x0  }
.Ltmp0:
0x9: {  	s7 =	sshrl.u32 s4, $0xC;
	s5 =	simm.s32 @!p0 $0x0;
	(pc) =	sbr.rel .LBB1_1-.Ltmp0, $4  }
0xa: {  	s15 =	simm.s32 $0x0;
	s1 =	rddreg [dreg:$0x2];
	s5 =	sadd.s32 s5, s7  }
0xb: {  	_ =	strace $0x8000004A;
	s4 =	simm.s32 $0x1;
	s5 =	smul.u32 $0xA0, s5  }
0xc: {  	s6 =	sadd.s32 $0x8A00, s6;
	s14 =	smov.u32 s2;
	[sflag:s4] =	ssyncpa.u1 $0x0  }
0xd: {  	[sflag:s31] =	ssyncpa.u1 $0x0;
	p0 =	por $0x0, $0x0;
	s7 =	sor.u32 $0x1, s5  }
.LBB1_4:
0xe: {  	s23 =	sshra.s32 s23, $0x2;
	s30 =	sshll.u32 s9, $0xC  }
0xf: {  	p1 =	sgt.s32 s10, $0x13;
	s24 =	smov.u32 s10;
	s25 =	sshra.s32 s10, $0x1F  }
0x10: {  	s26 =	sshll.u32 s11, $0x3;
	s28 =	smov.u32 s11;
	s29 =	sshra.s32 s11, $0x1F  }
0x11: {  	s22 =	sadd.s32 s23, s22;
	s24 =	simm.s32 @!p1 $0x13;
	s25 =	sand.u32 s25, s10  }
0x12: {  	s23 =	sand.u32 $0xFFFF8000, s30;
	s27 =	sand.u32 $0xFFFFFC00, s26;
	p1 =	sgt.s32 s9, $0x368  }
0x13: {  	s31 =	sand.u32 s29, s11;
	s29 =	sshll.u32 s9, $0x7;
	s30 =	sshra.s32 s9, $0x1F  }
0x14: {  	[tilespmem:s21+$0x2040 ss:$0x81] =	vst.msk $0xffff, v4;
	s24 =	ssub.s32 s24, s25;
	s23 =	sadd.s32 s27, s23;
	s27 =	smov.u32 s9  }
0x15: {  	[tilespmem:s21+$0x2850 ss:$0x81] =	vst.msk $0xffff, v3;
	s29 =	sand.u32 $0x380, s29;
	s25 =	sadd.s32 $0xFFFFFFED, s24;
	s27 =	simm.s32 @!p1 $0x368  }
0x16: {  	v5 =	vld [tilespmem:s20+$0xFFFFFFD0];
	[tilespmem:s21+$0x3060 ss:$0x81] =	vst.msk $0xffff, v2;
	p1 =	sgt.s32 s11, $0xF80;
	s23 =	sshrl.u32 s23, $0xC;
	s24 =	ssub.s32 $0x14, s24  }
0x17: {  	v58 =	vld [tilespmem:s20+$0xFFFFFFE0];
	[tilespmem:s21+$0x0 ss:$0x81] =	vst.msk $0xffff, v1;
	s28 =	simm.s32 @!p1 $0xF80;
	p1 =	sgt.s32 s25, $0x0;
	s21 =	smulhi.u32 $0x418938, s23  }
0x18: {  	v59 =	vld [tilespmem:s20+$0xFFFFFFF0];
	s25 =	ssub.s32 s28, s31;
	s28 =	sand.u32 s30, s9;
	s24 =	simm.s32 @p1 $0x0  }
0x19: {  	v60 =	vld [tilespmem:s20+$0x0];
	s27 =	ssub.s32 s27, s28;
	s31 =	sadd.s32 $0xFFFFF080, s25;
	s25 =	ssub.s32 $0x1000, s25  }
0x1a: {  	v61 =	vld [tilespmem:s20+$0x10];
	[tilespmem:s22+$0x3870 ss:$0x81] =	vst.msk $0xffff, v0;
	s21 =	smul.u32 $0x3E8, s21;
	s28 =	sand.u32 $0x7, s11;
	p1 =	sgt.s32 s31, $0x7F  }
0x1b: {  	v62 =	vld [tilespmem:s20+$0x20];
	[tilespmem:s22+$0x810 ss:$0x81] =	vst.msk $0xffff, v5;
	s30 =	sadd.s32 $0xFFFFFC98, s27;
	s31 =	sand.u32 $0x78, s11;
	s25 =	simm.s32 @p1 $0x0  }
0x1c: {  	v63 =	vld [tilespmem:s20+$0xFFFFFFC0];
	[tilespmem:s22+$0x1020 ss:$0x81] =	vst.msk $0xffff, v58;
	p1 =	sgt.s32 s30, $0x7F;
	s30 =	sand.u32 $0xC00, s26;
	s24 =	smul.u32 s25, s24  }
0x1d: {  	[tilespmem:s22+$0x1830 ss:$0x81] =	vst.msk $0xffff, v59;
	s26 =	ssub.s32 $0x3E8, s27;
	s20 =	sor.u32 s31, s30;
	s31 =	smul.u32 $0x7D000, s10  }
0x1e: {  	[tilespmem:s22+$0x2040 ss:$0x81] =	vst.msk $0xffff, v60;
	s21 =	ssub.s32 s23, s21;
	s26 =	simm.s32 @p1 $0x0;
	s20 =	sor.u32 s29, s20  }
0x1f: {  	[tilespmem:s22+$0x2850 ss:$0x81] =	vst.msk $0xffff, v61;
	s26 =	smul.u32 s26, s24;
	s20 =	sshrl.u32 s20, $0x3;
	s27 =	sadd.s32 s3, s31  }
0x20: {  	[tilespmem:s22+$0x3060 ss:$0x81] =	vst.msk $0xffff, v62;
	s21 =	sshll.u32 s21, $0x9;
	s29 =	sshll.u32 s28, $0x12;
	s20 =	sadd.s32 s20, s27  }
0x21: {  	[tilespmem:s22+$0x0 ss:$0x81] =	vst.msk $0xffff, v63;
	s31 =	sor.u32 $0x400, s29;
	s30 =	sand.u32 $0x3FFFFFFF, s26;
	s20 =	sadd.s32 s21, s20  }
0x22: {  	[hbm4b:s20+s31] =	stream.strided.scatter [tilespmem:s19], [sflag:$0x2], s30, s8, s31, $0x20;
	[tilespmem:$0x10100] =	vst v63  }
.LBB1_5:
0x23: {  	p1 =	slt.u32 s15, $0x2  }
0x24: {  	p2 =	sgt.s32 @!p1 s18, $0x13  }
0x25: {  	s19 =	smov.u32 s18;
	s20 =	sshra.s32 @!p1 s18, $0x1F;
	p2 =	por !p2, p1  }
0x26: {  	s18 =	sand.u32 @!p1 s20, s18;
	s19 =	simm.s32 @p2 $0x13  }
0x27: {  	p3 =	sgt.s32 @!p1 s16, $0x368;
	s18 =	ssub.s32 @!p1 s19, s18  }
0x28: {  	p4 =	sgt.s32 @!p1 s17, $0xF80;
	s21 =	sshra.s32 @!p1 s17, $0x1F;
	s19 =	sadd.s32 @!p1 $0xFFFFFFED, s18  }
0x29: {  	s20 =	smov.u32 s16;
	p2 =	sgt.s32 @!p1 s19, $0x0;
	s19 =	sshra.s32 @!p1 s16, $0x1F  }
0x2a: {  	p4 =	por !p4, p1;
	s16 =	sand.u32 @!p1 s19, s16;
	s19 =	smov.u32 s17  }
0x2b: {  	p3 =	por !p3, p1;
	s17 =	sand.u32 @!p1 s21, s17;
	s19 =	simm.s32 @p4 $0xF80  }
0x2c: {  	s20 =	simm.s32 @p3 $0x368;
	s18 =	ssub.s32 @!p1 $0x14, s18;
	s17 =	ssub.s32 @!p1 s19, s17  }
0x2d: {  	p2 =	por !p2, p1;
	s16 =	ssub.s32 @!p1 s20, s16;
	s20 =	sadd.s32 @!p1 $0xFFFFF080, s17  }
0x2e: {  	s18 =	simm.s32 @!p2 $0x0;
	p3 =	sgt.s32 @!p1 s20, $0x7F  }
0x2f: {  	s19 =	sadd.s32 @!p1 $0xFFFFFC98, s16;
	s17 =	ssub.s32 @!p1 $0x1000, s17;
	p3 =	por !p3, p1  }
0x30: {  	p2 =	sgt.s32 @!p1 s19, $0x7F;
	s19 =	sadd.s32 $0x80, s12;
	s17 =	simm.s32 @!p3 $0x0  }
0x31: {  	p3 =	sgt.s32 s19, $0x3E7;
	s17 =	smul.u32 @!p1 s17, s18;
	s18 =	simm.s32 $0x1  }
0x32: {  	s16 =	ssub.s32 @!p1 $0x3E8, s16;
	p2 =	por !p2, p1;
	s18 =	simm.s32 @!p3 $0x0  }
0x33: {  	s21 =	smov.u32 s14;
	s16 =	simm.s32 @!p2 $0x0;
	s20 =	sadd.s32 s18, s13  }
0x34: {  	s16 =	smul.u32 @!p1 s16, s17;
	s17 =	sadd.s32 $0x1000, s14;
	p2 =	sgt.s32 s20, $0x13  }
0x35: {  	p0 =	por !p0, !p0;
	s22 =	simm.s32 @!p1 $0x2;
	s21 =	smov.u32 @p2 s17  }
0x36: {  	s19 =	simm.s32 @p3 $0x0;
	s20 =	simm.s32 @p2 $0x0;
	p2 =	sgt.s32 s21, $0xFFF  }
0x37: {  	s18 =	smov.u32 s10;
	s21 =	smov.u32 @p2 s2;
	p2 =	sne.s32 s15, s7  }
.Ltmp1:
0x38: {  	s10 =	smov.u32 s13;
	s16 =	sand.u32 @!p1 $0x3FFFFFFF, s16;
	(pc) =	sbr.rel @!p2 .LBB1_6-.Ltmp1, $4  }
0x39: {  	s17 =	smov.u32 s11;
	s11 =	smov.u32 s14;
	_ =	swait.ge @!p1 [sflag:s22], s16  }
0x3a: {  	s23 =	ssub.s32 @!p1 $0x0, s16;
	s16 =	smov.u32 s9;
	s9 =	smov.u32 s12  }
0x3b: {  	s12 =	smov.u32 s19;
	s13 =	smov.u32 s20;
	[sflag:s22] =	ssyncset.done @!p1 $0x0  }
0x3c: {  	s15 =	sadd.s32 $0x1, s15;
	[sflag:s22] =	ssyncadd.s32 @!p1 s23;
	s14 =	smov.u32 s21  }
.LBB1_1:
0x3d: {  	p1 =	sge.u32 s15, s5  }
0x3e: {  	s19 =	sshll.u32 @!p1 s13, $0xA  }
0x3f: {  	s20 =	sshll.u32 @!p1 s12, $0x3;
	s19 =	sand.u32 @!p1 $0xFFFFE000, s19  }
0x40: {  	s19 =	sadd.s32 @!p1 s19, s20  }
0x41: {  	s19 =	sshrl.u32 @!p1 s19, $0xA  }
0x42: {  	s20 =	smulhi.u32 @!p1 $0xAAAAAAB, s19  }
0x43: {  	s21 =	sshll.u32 @!p1 s13, $0x7;
	s23 =	smul.u32 @!p1 $0xC00, s14  }
0x44: {  	s22 =	sand.u32 @!p1 $0x78, s12;
	s21 =	sand.u32 @!p1 $0x380, s21;
	s20 =	smul.u32 @!p1 $0x18, s20  }
0x45: {  	s31 =	sadd.s32 $0xFFFFFFFF, s15;
	s21 =	sor.u32 @!p1 s22, s21;
	s22 =	sadd.s32 @!p1 s6, s23  }
0x46: {  	s21 =	sshrl.u32 @!p1 s21, $0x3;
	s19 =	ssub.s32 @!p1 s19, s20;
	s20 =	sxor.u32 @!p1 $0xFFFFFFFF, s15  }
0x47: {  	s21 =	sadd.s32 @!p1 s21, s22;
	s22 =	sand.u32 @!p1 $0x7, s12;
	s20 =	sshll.u32 @!p1 s20, $0xE  }
0x48: {  	s22 =	sshll.u32 @!p1 s22, $0x12;
	s19 =	sshll.u32 @!p1 s19, $0x7;
	s20 =	sand.u32 @!p1 $0x4000, s20  }
0x49: {  	s19 =	sadd.s32 @!p1 s19, s21;
	s21 =	sor.u32 @!p1 $0x80, s22;
	s22 =	simm.s32 @!p1 $0x6000  }
0x4a: {  	[tilespmem:s20], [sflag:$0x1] =	stream.strided.gather @!p1 [hbm4b:s19+s21], $0x4000, s22, s21, $0x38;
	[tilespmem:$0x10100] =	vst v63  }
0x4b: {  	p1 =	sge.u32 s31, s5  }
.Ltmp2:
0x4c: {  	_ = 	snop;
	(pc) =	sbr.rel @p1 .LBB1_5-.Ltmp2, $1  }
0x4d: {  	_ =	sdelay $0x3  }
0x4e: {  	s19 =	simm.s32 $0x1  }
0x4f: {  	_ =	swait.ge [sflag:s4], $0x4000;
	s19 =	simm.s32 @!p0 $0x0  }
0x50: {  	[sflag:s4] =	ssyncset.done $0x0;
	s20 =	sshll.u32 s19, $0xE  }
0x51: {  	[sflag:s4] =	ssyncadd.s32 $0xFFFFC000;
	s20 =	sor.u32 $0x40, s20  }
0x52: {  	s19 =	smul.u32 $0x10200, s19;
	v0 =	vld [tilespmem:s20+$0x30]  }
0x53: {  	v1 =	vld [tilespmem:s20+$0xFFFFFFD0]  }
0x54: {  	s19 =	sshrl.u32 s19, $0x2;
	v5 =	vld [tilespmem:s20+$0xFFFFFFE0]  }
0x55: {  	v6 =	vld [tilespmem:s20+$0xFFFFFFF0];
	s22 =	sor.u32 $0x8000, s19  }
0x56: {  	s31 =	sand.u32 $0x1, s15;
	v4 =	vld [tilespmem:s20+$0x0];
	s21 =	sadd.s32 $0x0, s22  }
0x57: {  	v3 =	vld [tilespmem:s20+$0x10];
	s19 =	smul.u32 $0x10200, s31;
	[tilespmem:s21+$0x3870 ss:$0x81] =	vst.msk $0xffff, v0  }
0x58: {  	v2 =	vld [tilespmem:s20+$0x20];
	[tilespmem:s21+$0x810 ss:$0x81] =	vst.msk $0xffff, v1  }
0x59: {  	s19 =	sshrl.u32 s19, $0x2;
	v1 =	vld [tilespmem:s20+$0xFFFFFFC0];
	[tilespmem:s21+$0x1020 ss:$0x81] =	vst.msk $0xffff, v5;
	s20 =	sadd.s32 $0x80, s20  }
0x5a: {  	s23 =	simm.s32 $0x4;
	s24 =	simm.s32 $0x8;
	s19 =	sor.u32 $0x8000, s19;
	[tilespmem:s21+$0x1830 ss:$0x81] =	vst.msk $0xffff, v6;
	v0 =	vld [tilespmem:s20+$0x30]  }
.LBB1_3:
0x5b: {  	p1 =	sne.s32 s24, $0x1FC;
	v5 =	vld [tilespmem:s20+$0xFFFFFFD0];
	[tilespmem:s21+$0x2040 ss:$0x81] =	vst.msk $0xffff, v4  }
0x5c: {  	v6 =	vld [tilespmem:s20+$0xFFFFFFE0];
	[tilespmem:s21+$0x2850 ss:$0x81] =	vst.msk $0xffff, v3  }
0x5d: {  	s25 =	sshra.s32 s23, $0x2;
	s23 =	smov.u32 s24;
	v7 =	vld [tilespmem:s20+$0xFFFFFFF0];
	[tilespmem:s21+$0x3060 ss:$0x81] =	vst.msk $0xffff, v2  }
.Ltmp3:
0x5e: {  	v4 =	vld [tilespmem:s20+$0x0];
	[tilespmem:s21+$0x0 ss:$0x81] =	vst.msk $0xffff, v1;
	s21 =	sadd.s32 s25, s22;
	(pc) =	sbr.rel @p1 .LBB1_3-.Ltmp3, $4  }
0x5f: {  	v3 =	vld [tilespmem:s20+$0x10];
	[tilespmem:s21+$0x3870 ss:$0x81] =	vst.msk $0xffff, v0  }
0x60: {  	[tilespmem:s21+$0x810 ss:$0x81] =	vst.msk $0xffff, v5;
	v2 =	vld [tilespmem:s20+$0x20]  }
0x61: {  	v1 =	vld [tilespmem:s20+$0xFFFFFFC0];
	[tilespmem:s21+$0x1020 ss:$0x81] =	vst.msk $0xffff, v6;
	s20 =	sadd.s32 $0x80, s20  }
0x62: {  	s24 =	sadd.s32 $0x4, s24;
	v0 =	vld [tilespmem:s20+$0x30];
	[tilespmem:s21+$0x1830 ss:$0x81] =	vst.msk $0xffff, v7  }
.Ltmp4:
0x63: {  	_ = 	snop;
	(pc) =	sbr.rel .LBB1_4-.Ltmp4, $1  }
0x64: {  	_ =	sdelay $0x3  }
.LBB1_6:
0x65: {  	_ =	sfence.sel $0x180000  }
0x66: {  	s2 =	simm.s32 $0x1;
	[bflag:$0x0] =	sbarrier.arrive $0xFFFF  }
0x67: {  	s31 =	simm.s32 $0x2;
	[sflag:s2] =	ssyncpa.u1 $0x1  }
0x68: {  	[sflag:s31] =	ssyncpa.u1 $0x1  }
0x69: {  	p0 =	sne.s32 s0, $0x0;
	_ =	strace $0x9000004A  }
0x6a: {  	s0 =	sadd.s32 @!p0 $0x100000, s1;
	[bflag:$0x2] =	sbarrier.arrive $0xFFFF  }
0x6b: {  	[sflag:s0] =	ssyncadd.tile.s32 @!p0 $0x1;
	_ =	shalt  }
.Lfunc_end1:
_tile_overlayer_lowered:
.L_overlay_start_2:
0x6c: {  	(tag) =	ssettag $0x2  }
0x6d: {  	s0 =	rddreg [dreg:$0x0];
	s2 =	stileid.u32  }
0x6e: {  	s1 =	rddreg [dreg:$0x1];
	p0 =	sne.s32 s2, $0x0  }
0x6f: {  	s3 =	rddreg [dreg:$0x2];
	[bflag:$0x3] =	sbarrier.arrive $0xFFFF;
	s2 =	simm.s32 @!p0 $0x1C01  }
0x70: {  	[timem:s3], [sflag:s2] =	dma.local @!p0 [hbm:s0], s1  }
0x71: {  	s0 =	simm.s32 @!p0 $0x1  }
0x72: {  	_ =	swait.ge @!p0 [sflag:s0], s1  }
0x73: {  	s1 =	ssub.s32 @!p0 $0x0, s1;
	[sflag:s0] =	ssyncset.done @!p0 $0x0  }
0x74: {  	[sflag:s0] =	ssyncadd.s32 @!p0 s1  }
0x75: {  	[bflag:$0x3] =	sbarrier.arrive $0xFFFF  }
0x76: {  	_ =	shalt  }

</sc_bundles>
